<compile_context>
chip_gen: v7x
topology: tpu7x:2x2x1
jax: 0.10.2.dev20260603
libtpu: 0.0.44.dev20260713+nightly
codegen_flags: <defaults>
</compile_context>

<pallas_src>
import functools

import jax
import jax.numpy as jnp
from jax import lax
from jax.experimental import pallas as pl
from jax.experimental.pallas import tpu as pltpu
from jax.experimental.pallas import tpu_sc as plsc

B = 16384
EMB = 128
NC = 2
NS = 16
NW = NC * NS
CHUNKS = 1
BC = B // CHUNKS
BPW = BC // NW
CH = BPW // 128


NBUF = 4


def _sc_gather(chunk, uid2, iid2, user_emb, item_emb):
    mesh = plsc.VectorSubcoreMesh(core_axis_name="c", subcore_axis_name="s")
    chunk_row = chunk * NW * CH

    @functools.partial(
        pl.kernel,
        mesh=mesh,
        out_type=jax.ShapeDtypeStruct((BC, 2 * EMB), jnp.float32),
        scratch_types=(
            [pltpu.VMEM((CH, 128), jnp.int32),
             pltpu.VMEM((CH, 128), jnp.int32)]
            + [pltpu.VMEM((128, EMB), jnp.float32)] * NBUF
            + [pltpu.SemaphoreType.DMA] * (2 * NBUF)
        ),
    )
    def k(uid_hbm, iid_hbm, uemb_hbm, iemb_hbm, x_out,
          uidx_v, iidx_v, *bufs_sems):
        bufs = bufs_sems[:NBUF]
        gsem = bufs_sems[NBUF:2 * NBUF]
        wsem = bufs_sems[2 * NBUF:]
        wid = lax.axis_index("s") * NC + lax.axis_index("c")
        base = wid * BPW
        pltpu.sync_copy(uid_hbm.at[pl.ds(chunk_row + wid * CH, CH)], uidx_v)
        pltpu.sync_copy(iid_hbm.at[pl.ds(chunk_row + wid * CH, CH)], iidx_v)
        phases = ([(uemb_hbm, uidx_v, j, 0) for j in range(CH)]
                  + [(iemb_hbm, iidx_v, j, EMB) for j in range(CH)])
        P = len(phases)

        def fire(p):
            tbl, idx, j, _ = phases[p]
            return pltpu.async_copy(tbl.at[idx.at[j]], bufs[p % NBUF],
                                    gsem[p % NBUF])

        gh = [None] * P
        wh = [None] * P
        for p in range(min(NBUF, P)):
            gh[p] = fire(p)
        for p in range(P):
            gh[p].wait()
            _, _, j, col = phases[p]
            wh[p] = pltpu.async_copy(
                bufs[p % NBUF],
                x_out.at[pl.ds(base + j * 128, 128), pl.ds(col, EMB)],
                wsem[p % NBUF])
            if p + NBUF < P:
                wh[p].wait()
                gh[p + NBUF] = fire(p + NBUF)
        for p in range(max(0, P - NBUF), P):
            if p + NBUF >= P:
                wh[p].wait()

    return k(uid2, iid2, user_emb, item_emb)


BLK = 4096


def _mlp_body(x_ref, w1_ref, b1_ref, w2_ref, b2_ref,
              w3_ref, b3_ref, wo_ref, bo_ref, out_ref):
    bf = jnp.bfloat16
    zero = jnp.zeros((), dtype=bf)
    h = jnp.maximum(
        (jnp.dot(x_ref[...].astype(bf), w1_ref[...].astype(bf),
                 preferred_element_type=jnp.float32)
         + b1_ref[...]).astype(bf), zero)
    h = jnp.maximum(
        (jnp.dot(h, w2_ref[...].astype(bf),
                 preferred_element_type=jnp.float32)
         + b2_ref[...]).astype(bf), zero)
    h = jnp.maximum(
        (jnp.dot(h, w3_ref[...].astype(bf),
                 preferred_element_type=jnp.float32)
         + b3_ref[...]).astype(bf), zero)
    out_ref[...] = (
        jnp.dot(wo_ref[...].astype(bf), h.T,
                preferred_element_type=jnp.float32) + bo_ref[...])


def _tc_mlp(x, W1, b1, W2, b2, W3, b3, wo_row, bo):
    full = lambda shape: pl.BlockSpec(shape, lambda i: (0, 0))
    return pl.pallas_call(
        _mlp_body,
        grid=(BC // BLK,),
        in_specs=[
            pl.BlockSpec((BLK, 2 * EMB), lambda i: (i, 0)),
            full((256, 256)), full((1, 256)),
            full((256, 128)), full((1, 128)),
            full((128, 64)), full((1, 64)),
            full((1, 64)), full((1, 1)),
        ],
        out_specs=pl.BlockSpec((1, BLK), lambda i: (0, i)),
        out_shape=jax.ShapeDtypeStruct((1, BC), jnp.float32),
    )(x, W1, b1, W2, b2, W3, b3, wo_row, bo)


def kernel(user_id, item_id, user_emb, item_emb, W1, b1, W2, b2, W3, b3,
           Wo, bo):
    uid2 = user_id.astype(jnp.int32).reshape(CHUNKS * NW * CH, 128)
    iid2 = item_id.astype(jnp.int32).reshape(CHUNKS * NW * CH, 128)
    b1r, b2r, b3r = b1.reshape(1, 256), b2.reshape(1, 128), b3.reshape(1, 64)
    bor = bo.reshape(1, 1)
    outs = []
    for c in range(CHUNKS):
        x = _sc_gather(c, uid2, iid2, user_emb, item_emb)
        outs.append(_tc_mlp(x, W1, b1r, W2, b2r, W3, b3r,
                            Wo.reshape(1, 64), bor))
    return jnp.concatenate(outs, axis=1).reshape(B)

# --- scband reference (transcript-rebuilt; emitter-appended) ---
"""Pipeline reference for scband-mlp-4973572129404 (READ-ONLY COPY).

The authoritative reference and input builder live on the scoring server;
editing this copy changes nothing except your own understanding.
"""

import jax, jax.numpy as jnp
import numpy as np

NUM_USER = 100000
NUM_ITEM = 100000
BATCH = 16384
EMB = 128  # mlp_layers[0] // 2


def setup_inputs(seed: int = 0) -> dict:
    key = jax.random.key(seed)
    ks = jax.random.split(key, 12)
    user_id = jax.random.randint(ks[0], (BATCH,), 0, NUM_USER, dtype=jnp.int64 if jax.config.jax_enable_x64 else jnp.int32)
    item_id = jax.random.randint(ks[1], (BATCH,), 0, NUM_ITEM, dtype=jnp.int64 if jax.config.jax_enable_x64 else jnp.int32)
    user_emb = jax.random.normal(ks[2], (NUM_USER, EMB), dtype=jnp.float32) * 0.05
    item_emb = jax.random.normal(ks[3], (NUM_ITEM, EMB), dtype=jnp.float32) * 0.05
    # mlp_layers = [256, 256, 128, 64]; weights stored as [in, out]
    W1 = jax.random.normal(ks[4], (256, 256), dtype=jnp.float32) * (1.0 / np.sqrt(256))
    b1 = jnp.zeros((256,), dtype=jnp.float32)
    W2 = jax.random.normal(ks[5], (256, 128), dtype=jnp.float32) * (1.0 / np.sqrt(256))
    b2 = jnp.zeros((128,), dtype=jnp.float32)
    W3 = jax.random.normal(ks[6], (128, 64), dtype=jnp.float32) * (1.0 / np.sqrt(128))
    b3 = jnp.zeros((64,), dtype=jnp.float32)
    Wo = jax.random.normal(ks[7], (64, 1), dtype=jnp.float32) * (1.0 / np.sqrt(64))
    bo = jnp.zeros((1,), dtype=jnp.float32)
    return {
        "user_id": user_id, "item_id": item_id,
        "user_emb": user_emb, "item_emb": item_emb,
        "W1": W1, "b1": b1, "W2": W2, "b2": b2,
        "W3": W3, "b3": b3, "Wo": Wo, "bo": bo,
    }


def reference(user_id, item_id, user_emb, item_emb, W1, b1, W2, b2, W3, b3, Wo, bo):
    u = jnp.take(user_emb, user_id, axis=0)   # [B, 128]
    v = jnp.take(item_emb, item_id, axis=0)   # [B, 128]
    mlp_vec = jnp.concatenate([u, v], axis=-1)  # [B, 256]
    mlp_vec = jax.nn.relu(mlp_vec @ W1 + b1)
    mlp_vec = jax.nn.relu(mlp_vec @ W2 + b2)
    mlp_vec = jax.nn.relu(mlp_vec @ W3 + b3)
    prediction = mlp_vec @ Wo + bo  # [B, 1]
    return jnp.squeeze(prediction, axis=-1)  # [B]

if __name__ == "__main__":
    import jax
    _d = setup_inputs()
    print(jax.jit(kernel)(*tuple(_d.values())))

</pallas_src>

<mosaic_0001>
#map = affine_map<(d0, d1) -> (0, 0)>
module attributes {stable_mosaic.version = 14 : i64} {
  func.func @k(%arg0: i32, %arg1: i32, %arg2: memref<128x128xi32, #tpu.memory_space<hbm>>, %arg3: memref<128x128xi32, #tpu.memory_space<hbm>>, %arg4: memref<100000x128xf32, #tpu.memory_space<hbm>>, %arg5: memref<100000x128xf32, #tpu.memory_space<hbm>>, %arg6: memref<16384x256xf32, #tpu.memory_space<hbm>>, %arg7: memref<4x128xi32, #tpu.memory_space<vmem>>, %arg8: memref<4x128xi32, #tpu.memory_space<vmem>>, %arg9: memref<128x128xf32, #tpu.memory_space<vmem>>, %arg10: memref<128x128xf32, #tpu.memory_space<vmem>>, %arg11: memref<128x128xf32, #tpu.memory_space<vmem>>, %arg12: memref<128x128xf32, #tpu.memory_space<vmem>>, %arg13: memref<!tpu.dma_semaphore, #tpu.memory_space<semaphore_mem>>, %arg14: memref<!tpu.dma_semaphore, #tpu.memory_space<semaphore_mem>>, %arg15: memref<!tpu.dma_semaphore, #tpu.memory_space<semaphore_mem>>, %arg16: memref<!tpu.dma_semaphore, #tpu.memory_space<semaphore_mem>>, %arg17: memref<!tpu.dma_semaphore, #tpu.memory_space<semaphore_mem>>, %arg18: memref<!tpu.dma_semaphore, #tpu.memory_space<semaphore_mem>>, %arg19: memref<!tpu.dma_semaphore, #tpu.memory_space<semaphore_mem>>, %arg20: memref<!tpu.dma_semaphore, #tpu.memory_space<semaphore_mem>>) attributes {dimension_semantics = [#tpu.dimension_semantics<core_parallel>, #tpu.dimension_semantics<subcore_parallel>], iteration_bounds = array<i64: 2, 16>, scalar_prefetch = 0 : i64, scratch_operands = 14 : i64, tpu.core_type = #tpu.core_type<sc_vector_subcore>, window_params = [{transform_indices = #map}, {transform_indices = #map}, {transform_indices = #map}, {transform_indices = #map}, {transform_indices = #map}]} {
    %mul3A = arith.constant 2 : i32
    %mul3A_0 = arith.muli %arg1, %mul3A : i32
    %add3A = arith.addi %mul3A_0, %arg0 : i32
    %mul3A_1 = arith.constant 512 : i32
    %mul3A_2 = arith.muli %add3A, %mul3A_1 : i32
    %mul3A_3 = arith.constant 4 : i32
    %mul3A_4 = arith.muli %add3A, %mul3A_3 : i32
    %add3A_5 = arith.constant 0 : i32
    %add3A_6 = arith.addi %add3A_5, %mul3A_4 : i32
    "tpu.region"() ({
      %run_scoped3A = tpu.sem_alloc : memref<!tpu.dma_semaphore, #tpu.memory_space<semaphore_mem>>
      %dma_start3A_201 = arith.constant 0 : i32
      %dma_start3A_202 = tpu.memref_slice %arg2[%add3A_6, %dma_start3A_201] : memref<128x128xi32, #tpu.memory_space<hbm>> -> memref<4x128xi32, #tpu.memory_space<hbm>>
      %dma_start3A_203 = arith.constant 0 : i32
      %dma_start3A_204 = tpu.memref_slice %arg2[%add3A_6, %dma_start3A_203] : memref<128x128xi32, #tpu.memory_space<hbm>> -> memref<4x128xi32, #tpu.memory_space<hbm>>
      tpu.enqueue_dma source(%dma_start3A_204 : memref<4x128xi32, #tpu.memory_space<hbm>>) target(%arg7 : memref<4x128xi32, #tpu.memory_space<vmem>>) target_semaphore(%run_scoped3A : memref<!tpu.dma_semaphore, #tpu.memory_space<semaphore_mem>>)
      %dma_wait3A_205 = arith.constant 0 : i32
      %dma_wait3A_206 = tpu.memref_slice %arg2[%add3A_6, %dma_wait3A_205] : memref<128x128xi32, #tpu.memory_space<hbm>> -> memref<4x128xi32, #tpu.memory_space<hbm>>
      %dma_wait3A_207 = arith.constant 0 : i32
      %dma_wait3A_208 = tpu.memref_slice %arg2[%add3A_6, %dma_wait3A_207] : memref<128x128xi32, #tpu.memory_space<hbm>> -> memref<4x128xi32, #tpu.memory_space<hbm>>
      tpu.wait_dma2 semaphore(%run_scoped3A : memref<!tpu.dma_semaphore, #tpu.memory_space<semaphore_mem>>) src(%dma_wait3A_208 : memref<4x128xi32, #tpu.memory_space<hbm>>) dst(%arg7 : memref<4x128xi32, #tpu.memory_space<vmem>>)
      tpu.yield
    }) : () -> ()
    %mul3A_7 = arith.constant 4 : i32
    %mul3A_8 = arith.muli %add3A, %mul3A_7 : i32
    %add3A_9 = arith.constant 0 : i32
    %add3A_10 = arith.addi %add3A_9, %mul3A_8 : i32
    "tpu.region"() ({
      %run_scoped3A = tpu.sem_alloc : memref<!tpu.dma_semaphore, #tpu.memory_space<semaphore_mem>>
      %dma_start3A_201 = arith.constant 0 : i32
      %dma_start3A_202 = tpu.memref_slice %arg3[%add3A_10, %dma_start3A_201] : memref<128x128xi32, #tpu.memory_space<hbm>> -> memref<4x128xi32, #tpu.memory_space<hbm>>
      %dma_start3A_203 = arith.constant 0 : i32
      %dma_start3A_204 = tpu.memref_slice %arg3[%add3A_10, %dma_start3A_203] : memref<128x128xi32, #tpu.memory_space<hbm>> -> memref<4x128xi32, #tpu.memory_space<hbm>>
      tpu.enqueue_dma source(%dma_start3A_204 : memref<4x128xi32, #tpu.memory_space<hbm>>) target(%arg8 : memref<4x128xi32, #tpu.memory_space<vmem>>) target_semaphore(%run_scoped3A : memref<!tpu.dma_semaphore, #tpu.memory_space<semaphore_mem>>)
      %dma_wait3A_205 = arith.constant 0 : i32
      %dma_wait3A_206 = tpu.memref_slice %arg3[%add3A_10, %dma_wait3A_205] : memref<128x128xi32, #tpu.memory_space<hbm>> -> memref<4x128xi32, #tpu.memory_space<hbm>>
      %dma_wait3A_207 = arith.constant 0 : i32
      %dma_wait3A_208 = tpu.memref_slice %arg3[%add3A_10, %dma_wait3A_207] : memref<128x128xi32, #tpu.memory_space<hbm>> -> memref<4x128xi32, #tpu.memory_space<hbm>>
      tpu.wait_dma2 semaphore(%run_scoped3A : memref<!tpu.dma_semaphore, #tpu.memory_space<semaphore_mem>>) src(%dma_wait3A_208 : memref<4x128xi32, #tpu.memory_space<hbm>>) dst(%arg8 : memref<4x128xi32, #tpu.memory_space<vmem>>)
      tpu.yield
    }) : () -> ()
    %dma_start3A = arith.constant 0 : i32
    %dma_start3A_11 = arith.constant 0 : i32
    %dma_start3A_12 = tpu.memref_slice %arg7[%dma_start3A, %dma_start3A_11] : memref<4x128xi32, #tpu.memory_space<vmem>> -> memref<1x128xi32, #tpu.memory_space<vmem>>
    %dma_start3A_13 = tpu.memref_squeeze %dma_start3A_12 : memref<1x128xi32, #tpu.memory_space<vmem>> -> memref<128xi32, #tpu.memory_space<vmem>>
    %dma_start3A_14 = arith.constant 0 : i32
    %dma_start3A_15 = arith.constant 0 : i32
    %dma_start3A_16 = tpu.memref_slice %arg4[%dma_start3A_14, %dma_start3A_15] : memref<100000x128xf32, #tpu.memory_space<hbm>> -> memref<100000x128xf32, #tpu.memory_space<hbm>>
    tpu.enqueue_indirect_dma source(%dma_start3A_16 : memref<100000x128xf32, #tpu.memory_space<hbm>>) target(%arg9 : memref<128x128xf32, #tpu.memory_space<vmem>>) offsets(%dma_start3A_13 : memref<128xi32, #tpu.memory_space<vmem>>) semaphore(%arg13 : memref<!tpu.dma_semaphore, #tpu.memory_space<semaphore_mem>>)
    %dma_start3A_17 = arith.constant 1 : i32
    %dma_start3A_18 = arith.constant 0 : i32
    %dma_start3A_19 = tpu.memref_slice %arg7[%dma_start3A_17, %dma_start3A_18] : memref<4x128xi32, #tpu.memory_space<vmem>> -> memref<1x128xi32, #tpu.memory_space<vmem>>
    %dma_start3A_20 = tpu.memref_squeeze %dma_start3A_19 : memref<1x128xi32, #tpu.memory_space<vmem>> -> memref<128xi32, #tpu.memory_space<vmem>>
    %dma_start3A_21 = arith.constant 0 : i32
    %dma_start3A_22 = arith.constant 0 : i32
    %dma_start3A_23 = tpu.memref_slice %arg4[%dma_start3A_21, %dma_start3A_22] : memref<100000x128xf32, #tpu.memory_space<hbm>> -> memref<100000x128xf32, #tpu.memory_space<hbm>>
    tpu.enqueue_indirect_dma source(%dma_start3A_23 : memref<100000x128xf32, #tpu.memory_space<hbm>>) target(%arg10 : memref<128x128xf32, #tpu.memory_space<vmem>>) offsets(%dma_start3A_20 : memref<128xi32, #tpu.memory_space<vmem>>) semaphore(%arg14 : memref<!tpu.dma_semaphore, #tpu.memory_space<semaphore_mem>>)
    %dma_start3A_24 = arith.constant 2 : i32
    %dma_start3A_25 = arith.constant 0 : i32
    %dma_start3A_26 = tpu.memref_slice %arg7[%dma_start3A_24, %dma_start3A_25] : memref<4x128xi32, #tpu.memory_space<vmem>> -> memref<1x128xi32, #tpu.memory_space<vmem>>
    %dma_start3A_27 = tpu.memref_squeeze %dma_start3A_26 : memref<1x128xi32, #tpu.memory_space<vmem>> -> memref<128xi32, #tpu.memory_space<vmem>>
    %dma_start3A_28 = arith.constant 0 : i32
    %dma_start3A_29 = arith.constant 0 : i32
    %dma_start3A_30 = tpu.memref_slice %arg4[%dma_start3A_28, %dma_start3A_29] : memref<100000x128xf32, #tpu.memory_space<hbm>> -> memref<100000x128xf32, #tpu.memory_space<hbm>>
    tpu.enqueue_indirect_dma source(%dma_start3A_30 : memref<100000x128xf32, #tpu.memory_space<hbm>>) target(%arg11 : memref<128x128xf32, #tpu.memory_space<vmem>>) offsets(%dma_start3A_27 : memref<128xi32, #tpu.memory_space<vmem>>) semaphore(%arg15 : memref<!tpu.dma_semaphore, #tpu.memory_space<semaphore_mem>>)
    %dma_start3A_31 = arith.constant 3 : i32
    %dma_start3A_32 = arith.constant 0 : i32
    %dma_start3A_33 = tpu.memref_slice %arg7[%dma_start3A_31, %dma_start3A_32] : memref<4x128xi32, #tpu.memory_space<vmem>> -> memref<1x128xi32, #tpu.memory_space<vmem>>
    %dma_start3A_34 = tpu.memref_squeeze %dma_start3A_33 : memref<1x128xi32, #tpu.memory_space<vmem>> -> memref<128xi32, #tpu.memory_space<vmem>>
    %dma_start3A_35 = arith.constant 0 : i32
    %dma_start3A_36 = arith.constant 0 : i32
    %dma_start3A_37 = tpu.memref_slice %arg4[%dma_start3A_35, %dma_start3A_36] : memref<100000x128xf32, #tpu.memory_space<hbm>> -> memref<100000x128xf32, #tpu.memory_space<hbm>>
    tpu.enqueue_indirect_dma source(%dma_start3A_37 : memref<100000x128xf32, #tpu.memory_space<hbm>>) target(%arg12 : memref<128x128xf32, #tpu.memory_space<vmem>>) offsets(%dma_start3A_34 : memref<128xi32, #tpu.memory_space<vmem>>) semaphore(%arg16 : memref<!tpu.dma_semaphore, #tpu.memory_space<semaphore_mem>>)
    %dma_wait3A = arith.constant 0 : i32
    %dma_wait3A_38 = arith.constant 0 : i32
    %dma_wait3A_39 = tpu.memref_slice %arg7[%dma_wait3A, %dma_wait3A_38] : memref<4x128xi32, #tpu.memory_space<vmem>> -> memref<1x128xi32, #tpu.memory_space<vmem>>
    %dma_wait3A_40 = tpu.memref_squeeze %dma_wait3A_39 : memref<1x128xi32, #tpu.memory_space<vmem>> -> memref<128xi32, #tpu.memory_space<vmem>>
    %dma_wait3A_41 = arith.constant 0 : i32
    %dma_wait3A_42 = arith.constant 0 : i32
    %dma_wait3A_43 = tpu.memref_slice %arg4[%dma_wait3A_41, %dma_wait3A_42] : memref<100000x128xf32, #tpu.memory_space<hbm>> -> memref<100000x128xf32, #tpu.memory_space<hbm>>
    tpu.wait_indirect_dma semaphore(%arg13 : memref<!tpu.dma_semaphore, #tpu.memory_space<semaphore_mem>>) src(%dma_wait3A_43 : memref<100000x128xf32, #tpu.memory_space<hbm>>) dst(%arg9 : memref<128x128xf32, #tpu.memory_space<vmem>>)
    %add3A_44 = arith.constant 0 : i32
    %add3A_45 = arith.addi %mul3A_2, %add3A_44 : i32
    %dma_start3A_46 = arith.constant 0 : i32
    %dma_start3A_47 = tpu.memref_slice %arg6[%add3A_45, %dma_start3A_46] : memref<16384x256xf32, #tpu.memory_space<hbm>> -> memref<128x128xf32, #tpu.memory_space<hbm>>
    %dma_start3A_48 = arith.constant 0 : i32
    %dma_start3A_49 = tpu.memref_slice %arg6[%add3A_45, %dma_start3A_48] : memref<16384x256xf32, #tpu.memory_space<hbm>> -> memref<128x128xf32, #tpu.memory_space<hbm>>
    tpu.enqueue_dma source(%arg9 : memref<128x128xf32, #tpu.memory_space<vmem>>) target(%dma_start3A_49 : memref<128x128xf32, #tpu.memory_space<hbm>>) target_semaphore(%arg17 : memref<!tpu.dma_semaphore, #tpu.memory_space<semaphore_mem>>)
    %dma_wait3A_50 = arith.constant 0 : i32
    %dma_wait3A_51 = tpu.memref_slice %arg6[%add3A_45, %dma_wait3A_50] : memref<16384x256xf32, #tpu.memory_space<hbm>> -> memref<128x128xf32, #tpu.memory_space<hbm>>
    %dma_wait3A_52 = arith.constant 0 : i32
    %dma_wait3A_53 = tpu.memref_slice %arg6[%add3A_45, %dma_wait3A_52] : memref<16384x256xf32, #tpu.memory_space<hbm>> -> memref<128x128xf32, #tpu.memory_space<hbm>>
    tpu.wait_dma2 semaphore(%arg17 : memref<!tpu.dma_semaphore, #tpu.memory_space<semaphore_mem>>) src(%arg9 : memref<128x128xf32, #tpu.memory_space<vmem>>) dst(%dma_wait3A_53 : memref<128x128xf32, #tpu.memory_space<hbm>>)
    %dma_start3A_54 = arith.constant 0 : i32
    %dma_start3A_55 = arith.constant 0 : i32
    %dma_start3A_56 = tpu.memref_slice %arg8[%dma_start3A_54, %dma_start3A_55] : memref<4x128xi32, #tpu.memory_space<vmem>> -> memref<1x128xi32, #tpu.memory_space<vmem>>
    %dma_start3A_57 = tpu.memref_squeeze %dma_start3A_56 : memref<1x128xi32, #tpu.memory_space<vmem>> -> memref<128xi32, #tpu.memory_space<vmem>>
    %dma_start3A_58 = arith.constant 0 : i32
    %dma_start3A_59 = arith.constant 0 : i32
    %dma_start3A_60 = tpu.memref_slice %arg5[%dma_start3A_58, %dma_start3A_59] : memref<100000x128xf32, #tpu.memory_space<hbm>> -> memref<100000x128xf32, #tpu.memory_space<hbm>>
    tpu.enqueue_indirect_dma source(%dma_start3A_60 : memref<100000x128xf32, #tpu.memory_space<hbm>>) target(%arg9 : memref<128x128xf32, #tpu.memory_space<vmem>>) offsets(%dma_start3A_57 : memref<128xi32, #tpu.memory_space<vmem>>) semaphore(%arg13 : memref<!tpu.dma_semaphore, #tpu.memory_space<semaphore_mem>>)
    %dma_wait3A_61 = arith.constant 1 : i32
    %dma_wait3A_62 = arith.constant 0 : i32
    %dma_wait3A_63 = tpu.memref_slice %arg7[%dma_wait3A_61, %dma_wait3A_62] : memref<4x128xi32, #tpu.memory_space<vmem>> -> memref<1x128xi32, #tpu.memory_space<vmem>>
    %dma_wait3A_64 = tpu.memref_squeeze %dma_wait3A_63 : memref<1x128xi32, #tpu.memory_space<vmem>> -> memref<128xi32, #tpu.memory_space<vmem>>
    %dma_wait3A_65 = arith.constant 0 : i32
    %dma_wait3A_66 = arith.constant 0 : i32
    %dma_wait3A_67 = tpu.memref_slice %arg4[%dma_wait3A_65, %dma_wait3A_66] : memref<100000x128xf32, #tpu.memory_space<hbm>> -> memref<100000x128xf32, #tpu.memory_space<hbm>>
    tpu.wait_indirect_dma semaphore(%arg14 : memref<!tpu.dma_semaphore, #tpu.memory_space<semaphore_mem>>) src(%dma_wait3A_67 : memref<100000x128xf32, #tpu.memory_space<hbm>>) dst(%arg10 : memref<128x128xf32, #tpu.memory_space<vmem>>)
    %add3A_68 = arith.constant 128 : i32
    %add3A_69 = arith.addi %mul3A_2, %add3A_68 : i32
    %dma_start3A_70 = arith.constant 0 : i32
    %dma_start3A_71 = tpu.memref_slice %arg6[%add3A_69, %dma_start3A_70] : memref<16384x256xf32, #tpu.memory_space<hbm>> -> memref<128x128xf32, #tpu.memory_space<hbm>>
    %dma_start3A_72 = arith.constant 0 : i32
    %dma_start3A_73 = tpu.memref_slice %arg6[%add3A_69, %dma_start3A_72] : memref<16384x256xf32, #tpu.memory_space<hbm>> -> memref<128x128xf32, #tpu.memory_space<hbm>>
    tpu.enqueue_dma source(%arg10 : memref<128x128xf32, #tpu.memory_space<vmem>>) target(%dma_start3A_73 : memref<128x128xf32, #tpu.memory_space<hbm>>) target_semaphore(%arg18 : memref<!tpu.dma_semaphore, #tpu.memory_space<semaphore_mem>>)
    %dma_wait3A_74 = arith.constant 0 : i32
    %dma_wait3A_75 = tpu.memref_slice %arg6[%add3A_69, %dma_wait3A_74] : memref<16384x256xf32, #tpu.memory_space<hbm>> -> memref<128x128xf32, #tpu.memory_space<hbm>>
    %dma_wait3A_76 = arith.constant 0 : i32
    %dma_wait3A_77 = tpu.memref_slice %arg6[%add3A_69, %dma_wait3A_76] : memref<16384x256xf32, #tpu.memory_space<hbm>> -> memref<128x128xf32, #tpu.memory_space<hbm>>
    tpu.wait_dma2 semaphore(%arg18 : memref<!tpu.dma_semaphore, #tpu.memory_space<semaphore_mem>>) src(%arg10 : memref<128x128xf32, #tpu.memory_space<vmem>>) dst(%dma_wait3A_77 : memref<128x128xf32, #tpu.memory_space<hbm>>)
    %dma_start3A_78 = arith.constant 1 : i32
    %dma_start3A_79 = arith.constant 0 : i32
    %dma_start3A_80 = tpu.memref_slice %arg8[%dma_start3A_78, %dma_start3A_79] : memref<4x128xi32, #tpu.memory_space<vmem>> -> memref<1x128xi32, #tpu.memory_space<vmem>>
    %dma_start3A_81 = tpu.memref_squeeze %dma_start3A_80 : memref<1x128xi32, #tpu.memory_space<vmem>> -> memref<128xi32, #tpu.memory_space<vmem>>
    %dma_start3A_82 = arith.constant 0 : i32
    %dma_start3A_83 = arith.constant 0 : i32
    %dma_start3A_84 = tpu.memref_slice %arg5[%dma_start3A_82, %dma_start3A_83] : memref<100000x128xf32, #tpu.memory_space<hbm>> -> memref<100000x128xf32, #tpu.memory_space<hbm>>
    tpu.enqueue_indirect_dma source(%dma_start3A_84 : memref<100000x128xf32, #tpu.memory_space<hbm>>) target(%arg10 : memref<128x128xf32, #tpu.memory_space<vmem>>) offsets(%dma_start3A_81 : memref<128xi32, #tpu.memory_space<vmem>>) semaphore(%arg14 : memref<!tpu.dma_semaphore, #tpu.memory_space<semaphore_mem>>)
    %dma_wait3A_85 = arith.constant 2 : i32
    %dma_wait3A_86 = arith.constant 0 : i32
    %dma_wait3A_87 = tpu.memref_slice %arg7[%dma_wait3A_85, %dma_wait3A_86] : memref<4x128xi32, #tpu.memory_space<vmem>> -> memref<1x128xi32, #tpu.memory_space<vmem>>
    %dma_wait3A_88 = tpu.memref_squeeze %dma_wait3A_87 : memref<1x128xi32, #tpu.memory_space<vmem>> -> memref<128xi32, #tpu.memory_space<vmem>>
    %dma_wait3A_89 = arith.constant 0 : i32
    %dma_wait3A_90 = arith.constant 0 : i32
    %dma_wait3A_91 = tpu.memref_slice %arg4[%dma_wait3A_89, %dma_wait3A_90] : memref<100000x128xf32, #tpu.memory_space<hbm>> -> memref<100000x128xf32, #tpu.memory_space<hbm>>
    tpu.wait_indirect_dma semaphore(%arg15 : memref<!tpu.dma_semaphore, #tpu.memory_space<semaphore_mem>>) src(%dma_wait3A_91 : memref<100000x128xf32, #tpu.memory_space<hbm>>) dst(%arg11 : memref<128x128xf32, #tpu.memory_space<vmem>>)
    %add3A_92 = arith.constant 256 : i32
    %add3A_93 = arith.addi %mul3A_2, %add3A_92 : i32
    %dma_start3A_94 = arith.constant 0 : i32
    %dma_start3A_95 = tpu.memref_slice %arg6[%add3A_93, %dma_start3A_94] : memref<16384x256xf32, #tpu.memory_space<hbm>> -> memref<128x128xf32, #tpu.memory_space<hbm>>
    %dma_start3A_96 = arith.constant 0 : i32
    %dma_start3A_97 = tpu.memref_slice %arg6[%add3A_93, %dma_start3A_96] : memref<16384x256xf32, #tpu.memory_space<hbm>> -> memref<128x128xf32, #tpu.memory_space<hbm>>
    tpu.enqueue_dma source(%arg11 : memref<128x128xf32, #tpu.memory_space<vmem>>) target(%dma_start3A_97 : memref<128x128xf32, #tpu.memory_space<hbm>>) target_semaphore(%arg19 : memref<!tpu.dma_semaphore, #tpu.memory_space<semaphore_mem>>)
    %dma_wait3A_98 = arith.constant 0 : i32
    %dma_wait3A_99 = tpu.memref_slice %arg6[%add3A_93, %dma_wait3A_98] : memref<16384x256xf32, #tpu.memory_space<hbm>> -> memref<128x128xf32, #tpu.memory_space<hbm>>
    %dma_wait3A_100 = arith.constant 0 : i32
    %dma_wait3A_101 = tpu.memref_slice %arg6[%add3A_93, %dma_wait3A_100] : memref<16384x256xf32, #tpu.memory_space<hbm>> -> memref<128x128xf32, #tpu.memory_space<hbm>>
    tpu.wait_dma2 semaphore(%arg19 : memref<!tpu.dma_semaphore, #tpu.memory_space<semaphore_mem>>) src(%arg11 : memref<128x128xf32, #tpu.memory_space<vmem>>) dst(%dma_wait3A_101 : memref<128x128xf32, #tpu.memory_space<hbm>>)
    %dma_start3A_102 = arith.constant 2 : i32
    %dma_start3A_103 = arith.constant 0 : i32
    %dma_start3A_104 = tpu.memref_slice %arg8[%dma_start3A_102, %dma_start3A_103] : memref<4x128xi32, #tpu.memory_space<vmem>> -> memref<1x128xi32, #tpu.memory_space<vmem>>
    %dma_start3A_105 = tpu.memref_squeeze %dma_start3A_104 : memref<1x128xi32, #tpu.memory_space<vmem>> -> memref<128xi32, #tpu.memory_space<vmem>>
    %dma_start3A_106 = arith.constant 0 : i32
    %dma_start3A_107 = arith.constant 0 : i32
    %dma_start3A_108 = tpu.memref_slice %arg5[%dma_start3A_106, %dma_start3A_107] : memref<100000x128xf32, #tpu.memory_space<hbm>> -> memref<100000x128xf32, #tpu.memory_space<hbm>>
    tpu.enqueue_indirect_dma source(%dma_start3A_108 : memref<100000x128xf32, #tpu.memory_space<hbm>>) target(%arg11 : memref<128x128xf32, #tpu.memory_space<vmem>>) offsets(%dma_start3A_105 : memref<128xi32, #tpu.memory_space<vmem>>) semaphore(%arg15 : memref<!tpu.dma_semaphore, #tpu.memory_space<semaphore_mem>>)
    %dma_wait3A_109 = arith.constant 3 : i32
    %dma_wait3A_110 = arith.constant 0 : i32
    %dma_wait3A_111 = tpu.memref_slice %arg7[%dma_wait3A_109, %dma_wait3A_110] : memref<4x128xi32, #tpu.memory_space<vmem>> -> memref<1x128xi32, #tpu.memory_space<vmem>>
    %dma_wait3A_112 = tpu.memref_squeeze %dma_wait3A_111 : memref<1x128xi32, #tpu.memory_space<vmem>> -> memref<128xi32, #tpu.memory_space<vmem>>
    %dma_wait3A_113 = arith.constant 0 : i32
    %dma_wait3A_114 = arith.constant 0 : i32
    %dma_wait3A_115 = tpu.memref_slice %arg4[%dma_wait3A_113, %dma_wait3A_114] : memref<100000x128xf32, #tpu.memory_space<hbm>> -> memref<100000x128xf32, #tpu.memory_space<hbm>>
    tpu.wait_indirect_dma semaphore(%arg16 : memref<!tpu.dma_semaphore, #tpu.memory_space<semaphore_mem>>) src(%dma_wait3A_115 : memref<100000x128xf32, #tpu.memory_space<hbm>>) dst(%arg12 : memref<128x128xf32, #tpu.memory_space<vmem>>)
    %add3A_116 = arith.constant 384 : i32
    %add3A_117 = arith.addi %mul3A_2, %add3A_116 : i32
    %dma_start3A_118 = arith.constant 0 : i32
    %dma_start3A_119 = tpu.memref_slice %arg6[%add3A_117, %dma_start3A_118] : memref<16384x256xf32, #tpu.memory_space<hbm>> -> memref<128x128xf32, #tpu.memory_space<hbm>>
    %dma_start3A_120 = arith.constant 0 : i32
    %dma_start3A_121 = tpu.memref_slice %arg6[%add3A_117, %dma_start3A_120] : memref<16384x256xf32, #tpu.memory_space<hbm>> -> memref<128x128xf32, #tpu.memory_space<hbm>>
    tpu.enqueue_dma source(%arg12 : memref<128x128xf32, #tpu.memory_space<vmem>>) target(%dma_start3A_121 : memref<128x128xf32, #tpu.memory_space<hbm>>) target_semaphore(%arg20 : memref<!tpu.dma_semaphore, #tpu.memory_space<semaphore_mem>>)
    %dma_wait3A_122 = arith.constant 0 : i32
    %dma_wait3A_123 = tpu.memref_slice %arg6[%add3A_117, %dma_wait3A_122] : memref<16384x256xf32, #tpu.memory_space<hbm>> -> memref<128x128xf32, #tpu.memory_space<hbm>>
    %dma_wait3A_124 = arith.constant 0 : i32
    %dma_wait3A_125 = tpu.memref_slice %arg6[%add3A_117, %dma_wait3A_124] : memref<16384x256xf32, #tpu.memory_space<hbm>> -> memref<128x128xf32, #tpu.memory_space<hbm>>
    tpu.wait_dma2 semaphore(%arg20 : memref<!tpu.dma_semaphore, #tpu.memory_space<semaphore_mem>>) src(%arg12 : memref<128x128xf32, #tpu.memory_space<vmem>>) dst(%dma_wait3A_125 : memref<128x128xf32, #tpu.memory_space<hbm>>)
    %dma_start3A_126 = arith.constant 3 : i32
    %dma_start3A_127 = arith.constant 0 : i32
    %dma_start3A_128 = tpu.memref_slice %arg8[%dma_start3A_126, %dma_start3A_127] : memref<4x128xi32, #tpu.memory_space<vmem>> -> memref<1x128xi32, #tpu.memory_space<vmem>>
    %dma_start3A_129 = tpu.memref_squeeze %dma_start3A_128 : memref<1x128xi32, #tpu.memory_space<vmem>> -> memref<128xi32, #tpu.memory_space<vmem>>
    %dma_start3A_130 = arith.constant 0 : i32
    %dma_start3A_131 = arith.constant 0 : i32
    %dma_start3A_132 = tpu.memref_slice %arg5[%dma_start3A_130, %dma_start3A_131] : memref<100000x128xf32, #tpu.memory_space<hbm>> -> memref<100000x128xf32, #tpu.memory_space<hbm>>
    tpu.enqueue_indirect_dma source(%dma_start3A_132 : memref<100000x128xf32, #tpu.memory_space<hbm>>) target(%arg12 : memref<128x128xf32, #tpu.memory_space<vmem>>) offsets(%dma_start3A_129 : memref<128xi32, #tpu.memory_space<vmem>>) semaphore(%arg16 : memref<!tpu.dma_semaphore, #tpu.memory_space<semaphore_mem>>)
    %dma_wait3A_133 = arith.constant 0 : i32
    %dma_wait3A_134 = arith.constant 0 : i32
    %dma_wait3A_135 = tpu.memref_slice %arg8[%dma_wait3A_133, %dma_wait3A_134] : memref<4x128xi32, #tpu.memory_space<vmem>> -> memref<1x128xi32, #tpu.memory_space<vmem>>
    %dma_wait3A_136 = tpu.memref_squeeze %dma_wait3A_135 : memref<1x128xi32, #tpu.memory_space<vmem>> -> memref<128xi32, #tpu.memory_space<vmem>>
    %dma_wait3A_137 = arith.constant 0 : i32
    %dma_wait3A_138 = arith.constant 0 : i32
    %dma_wait3A_139 = tpu.memref_slice %arg5[%dma_wait3A_137, %dma_wait3A_138] : memref<100000x128xf32, #tpu.memory_space<hbm>> -> memref<100000x128xf32, #tpu.memory_space<hbm>>
    tpu.wait_indirect_dma semaphore(%arg13 : memref<!tpu.dma_semaphore, #tpu.memory_space<semaphore_mem>>) src(%dma_wait3A_139 : memref<100000x128xf32, #tpu.memory_space<hbm>>) dst(%arg9 : memref<128x128xf32, #tpu.memory_space<vmem>>)
    %add3A_140 = arith.constant 0 : i32
    %add3A_141 = arith.addi %mul3A_2, %add3A_140 : i32
    %dma_start3A_142 = arith.constant 128 : i32
    %dma_start3A_143 = tpu.memref_slice %arg6[%add3A_141, %dma_start3A_142] : memref<16384x256xf32, #tpu.memory_space<hbm>> -> memref<128x128xf32, #tpu.memory_space<hbm>>
    %dma_start3A_144 = arith.constant 128 : i32
    %dma_start3A_145 = tpu.memref_slice %arg6[%add3A_141, %dma_start3A_144] : memref<16384x256xf32, #tpu.memory_space<hbm>> -> memref<128x128xf32, #tpu.memory_space<hbm>>
    tpu.enqueue_dma source(%arg9 : memref<128x128xf32, #tpu.memory_space<vmem>>) target(%dma_start3A_145 : memref<128x128xf32, #tpu.memory_space<hbm>>) target_semaphore(%arg17 : memref<!tpu.dma_semaphore, #tpu.memory_space<semaphore_mem>>)
    %dma_wait3A_146 = arith.constant 1 : i32
    %dma_wait3A_147 = arith.constant 0 : i32
    %dma_wait3A_148 = tpu.memref_slice %arg8[%dma_wait3A_146, %dma_wait3A_147] : memref<4x128xi32, #tpu.memory_space<vmem>> -> memref<1x128xi32, #tpu.memory_space<vmem>>
    %dma_wait3A_149 = tpu.memref_squeeze %dma_wait3A_148 : memref<1x128xi32, #tpu.memory_space<vmem>> -> memref<128xi32, #tpu.memory_space<vmem>>
    %dma_wait3A_150 = arith.constant 0 : i32
    %dma_wait3A_151 = arith.constant 0 : i32
    %dma_wait3A_152 = tpu.memref_slice %arg5[%dma_wait3A_150, %dma_wait3A_151] : memref<100000x128xf32, #tpu.memory_space<hbm>> -> memref<100000x128xf32, #tpu.memory_space<hbm>>
    tpu.wait_indirect_dma semaphore(%arg14 : memref<!tpu.dma_semaphore, #tpu.memory_space<semaphore_mem>>) src(%dma_wait3A_152 : memref<100000x128xf32, #tpu.memory_space<hbm>>) dst(%arg10 : memref<128x128xf32, #tpu.memory_space<vmem>>)
    %add3A_153 = arith.constant 128 : i32
    %add3A_154 = arith.addi %mul3A_2, %add3A_153 : i32
    %dma_start3A_155 = arith.constant 128 : i32
    %dma_start3A_156 = tpu.memref_slice %arg6[%add3A_154, %dma_start3A_155] : memref<16384x256xf32, #tpu.memory_space<hbm>> -> memref<128x128xf32, #tpu.memory_space<hbm>>
    %dma_start3A_157 = arith.constant 128 : i32
    %dma_start3A_158 = tpu.memref_slice %arg6[%add3A_154, %dma_start3A_157] : memref<16384x256xf32, #tpu.memory_space<hbm>> -> memref<128x128xf32, #tpu.memory_space<hbm>>
    tpu.enqueue_dma source(%arg10 : memref<128x128xf32, #tpu.memory_space<vmem>>) target(%dma_start3A_158 : memref<128x128xf32, #tpu.memory_space<hbm>>) target_semaphore(%arg18 : memref<!tpu.dma_semaphore, #tpu.memory_space<semaphore_mem>>)
    %dma_wait3A_159 = arith.constant 2 : i32
    %dma_wait3A_160 = arith.constant 0 : i32
    %dma_wait3A_161 = tpu.memref_slice %arg8[%dma_wait3A_159, %dma_wait3A_160] : memref<4x128xi32, #tpu.memory_space<vmem>> -> memref<1x128xi32, #tpu.memory_space<vmem>>
    %dma_wait3A_162 = tpu.memref_squeeze %dma_wait3A_161 : memref<1x128xi32, #tpu.memory_space<vmem>> -> memref<128xi32, #tpu.memory_space<vmem>>
    %dma_wait3A_163 = arith.constant 0 : i32
    %dma_wait3A_164 = arith.constant 0 : i32
    %dma_wait3A_165 = tpu.memref_slice %arg5[%dma_wait3A_163, %dma_wait3A_164] : memref<100000x128xf32, #tpu.memory_space<hbm>> -> memref<100000x128xf32, #tpu.memory_space<hbm>>
    tpu.wait_indirect_dma semaphore(%arg15 : memref<!tpu.dma_semaphore, #tpu.memory_space<semaphore_mem>>) src(%dma_wait3A_165 : memref<100000x128xf32, #tpu.memory_space<hbm>>) dst(%arg11 : memref<128x128xf32, #tpu.memory_space<vmem>>)
    %add3A_166 = arith.constant 256 : i32
    %add3A_167 = arith.addi %mul3A_2, %add3A_166 : i32
    %dma_start3A_168 = arith.constant 128 : i32
    %dma_start3A_169 = tpu.memref_slice %arg6[%add3A_167, %dma_start3A_168] : memref<16384x256xf32, #tpu.memory_space<hbm>> -> memref<128x128xf32, #tpu.memory_space<hbm>>
    %dma_start3A_170 = arith.constant 128 : i32
    %dma_start3A_171 = tpu.memref_slice %arg6[%add3A_167, %dma_start3A_170] : memref<16384x256xf32, #tpu.memory_space<hbm>> -> memref<128x128xf32, #tpu.memory_space<hbm>>
    tpu.enqueue_dma source(%arg11 : memref<128x128xf32, #tpu.memory_space<vmem>>) target(%dma_start3A_171 : memref<128x128xf32, #tpu.memory_space<hbm>>) target_semaphore(%arg19 : memref<!tpu.dma_semaphore, #tpu.memory_space<semaphore_mem>>)
    %dma_wait3A_172 = arith.constant 3 : i32
    %dma_wait3A_173 = arith.constant 0 : i32
    %dma_wait3A_174 = tpu.memref_slice %arg8[%dma_wait3A_172, %dma_wait3A_173] : memref<4x128xi32, #tpu.memory_space<vmem>> -> memref<1x128xi32, #tpu.memory_space<vmem>>
    %dma_wait3A_175 = tpu.memref_squeeze %dma_wait3A_174 : memref<1x128xi32, #tpu.memory_space<vmem>> -> memref<128xi32, #tpu.memory_space<vmem>>
    %dma_wait3A_176 = arith.constant 0 : i32
    %dma_wait3A_177 = arith.constant 0 : i32
    %dma_wait3A_178 = tpu.memref_slice %arg5[%dma_wait3A_176, %dma_wait3A_177] : memref<100000x128xf32, #tpu.memory_space<hbm>> -> memref<100000x128xf32, #tpu.memory_space<hbm>>
    tpu.wait_indirect_dma semaphore(%arg16 : memref<!tpu.dma_semaphore, #tpu.memory_space<semaphore_mem>>) src(%dma_wait3A_178 : memref<100000x128xf32, #tpu.memory_space<hbm>>) dst(%arg12 : memref<128x128xf32, #tpu.memory_space<vmem>>)
    %add3A_179 = arith.constant 384 : i32
    %add3A_180 = arith.addi %mul3A_2, %add3A_179 : i32
    %dma_start3A_181 = arith.constant 128 : i32
    %dma_start3A_182 = tpu.memref_slice %arg6[%add3A_180, %dma_start3A_181] : memref<16384x256xf32, #tpu.memory_space<hbm>> -> memref<128x128xf32, #tpu.memory_space<hbm>>
    %dma_start3A_183 = arith.constant 128 : i32
    %dma_start3A_184 = tpu.memref_slice %arg6[%add3A_180, %dma_start3A_183] : memref<16384x256xf32, #tpu.memory_space<hbm>> -> memref<128x128xf32, #tpu.memory_space<hbm>>
    tpu.enqueue_dma source(%arg12 : memref<128x128xf32, #tpu.memory_space<vmem>>) target(%dma_start3A_184 : memref<128x128xf32, #tpu.memory_space<hbm>>) target_semaphore(%arg20 : memref<!tpu.dma_semaphore, #tpu.memory_space<semaphore_mem>>)
    %dma_wait3A_185 = arith.constant 128 : i32
    %dma_wait3A_186 = tpu.memref_slice %arg6[%add3A_141, %dma_wait3A_185] : memref<16384x256xf32, #tpu.memory_space<hbm>> -> memref<128x128xf32, #tpu.memory_space<hbm>>
    %dma_wait3A_187 = arith.constant 128 : i32
    %dma_wait3A_188 = tpu.memref_slice %arg6[%add3A_141, %dma_wait3A_187] : memref<16384x256xf32, #tpu.memory_space<hbm>> -> memref<128x128xf32, #tpu.memory_space<hbm>>
    tpu.wait_dma2 semaphore(%arg17 : memref<!tpu.dma_semaphore, #tpu.memory_space<semaphore_mem>>) src(%arg9 : memref<128x128xf32, #tpu.memory_space<vmem>>) dst(%dma_wait3A_188 : memref<128x128xf32, #tpu.memory_space<hbm>>)
    %dma_wait3A_189 = arith.constant 128 : i32
    %dma_wait3A_190 = tpu.memref_slice %arg6[%add3A_154, %dma_wait3A_189] : memref<16384x256xf32, #tpu.memory_space<hbm>> -> memref<128x128xf32, #tpu.memory_space<hbm>>
    %dma_wait3A_191 = arith.constant 128 : i32
    %dma_wait3A_192 = tpu.memref_slice %arg6[%add3A_154, %dma_wait3A_191] : memref<16384x256xf32, #tpu.memory_space<hbm>> -> memref<128x128xf32, #tpu.memory_space<hbm>>
    tpu.wait_dma2 semaphore(%arg18 : memref<!tpu.dma_semaphore, #tpu.memory_space<semaphore_mem>>) src(%arg10 : memref<128x128xf32, #tpu.memory_space<vmem>>) dst(%dma_wait3A_192 : memref<128x128xf32, #tpu.memory_space<hbm>>)
    %dma_wait3A_193 = arith.constant 128 : i32
    %dma_wait3A_194 = tpu.memref_slice %arg6[%add3A_167, %dma_wait3A_193] : memref<16384x256xf32, #tpu.memory_space<hbm>> -> memref<128x128xf32, #tpu.memory_space<hbm>>
    %dma_wait3A_195 = arith.constant 128 : i32
    %dma_wait3A_196 = tpu.memref_slice %arg6[%add3A_167, %dma_wait3A_195] : memref<16384x256xf32, #tpu.memory_space<hbm>> -> memref<128x128xf32, #tpu.memory_space<hbm>>
    tpu.wait_dma2 semaphore(%arg19 : memref<!tpu.dma_semaphore, #tpu.memory_space<semaphore_mem>>) src(%arg11 : memref<128x128xf32, #tpu.memory_space<vmem>>) dst(%dma_wait3A_196 : memref<128x128xf32, #tpu.memory_space<hbm>>)
    %dma_wait3A_197 = arith.constant 128 : i32
    %dma_wait3A_198 = tpu.memref_slice %arg6[%add3A_180, %dma_wait3A_197] : memref<16384x256xf32, #tpu.memory_space<hbm>> -> memref<128x128xf32, #tpu.memory_space<hbm>>
    %dma_wait3A_199 = arith.constant 128 : i32
    %dma_wait3A_200 = tpu.memref_slice %arg6[%add3A_180, %dma_wait3A_199] : memref<16384x256xf32, #tpu.memory_space<hbm>> -> memref<128x128xf32, #tpu.memory_space<hbm>>
    tpu.wait_dma2 semaphore(%arg20 : memref<!tpu.dma_semaphore, #tpu.memory_space<semaphore_mem>>) src(%arg12 : memref<128x128xf32, #tpu.memory_space<vmem>>) dst(%dma_wait3A_200 : memref<128x128xf32, #tpu.memory_space<hbm>>)
    return
  }
}

module attributes {stable_mosaic.version = 14 : i64} {
  func.func @_mlp_body(%arg0: i32, %arg1: memref<4096x256xf32, #tpu.memory_space<vmem>>, %arg2: memref<256x256xf32, #tpu.memory_space<vmem>>, %arg3: memref<1x256xf32, #tpu.memory_space<vmem>>, %arg4: memref<256x128xf32, #tpu.memory_space<vmem>>, %arg5: memref<1x128xf32, #tpu.memory_space<vmem>>, %arg6: memref<128x64xf32, #tpu.memory_space<vmem>>, %arg7: memref<1x64xf32, #tpu.memory_space<vmem>>, %arg8: memref<1x64xf32, #tpu.memory_space<vmem>>, %arg9: memref<1x1xf32, #tpu.memory_space<vmem>>, %arg10: memref<1x4096xf32, #tpu.memory_space<vmem>>) attributes {dimension_semantics = [#tpu.dimension_semantics<arbitrary>], iteration_bounds = array<i64: 4>, scalar_prefetch = 0 : i64, scratch_operands = 0 : i64, tpu.core_type = #tpu.core_type<tc>, window_params = [{transform_indices = @transform_0, window_bounds = array<i64: 4096, 256>}, {pipeline_mode = #tpu.pipeline_mode<synchronous>, transform_indices = @transform_1, window_bounds = array<i64: 256, 256>}, {pipeline_mode = #tpu.pipeline_mode<synchronous>, transform_indices = @transform_2, window_bounds = array<i64: 1, 256>}, {pipeline_mode = #tpu.pipeline_mode<synchronous>, transform_indices = @transform_3, window_bounds = array<i64: 256, 128>}, {pipeline_mode = #tpu.pipeline_mode<synchronous>, transform_indices = @transform_4, window_bounds = array<i64: 1, 128>}, {pipeline_mode = #tpu.pipeline_mode<synchronous>, transform_indices = @transform_5, window_bounds = array<i64: 128, 64>}, {pipeline_mode = #tpu.pipeline_mode<synchronous>, transform_indices = @transform_6, window_bounds = array<i64: 1, 64>}, {pipeline_mode = #tpu.pipeline_mode<synchronous>, transform_indices = @transform_7, window_bounds = array<i64: 1, 64>}, {pipeline_mode = #tpu.pipeline_mode<synchronous>, transform_indices = @transform_8, window_bounds = array<i64: 1, 1>}, {transform_indices = @transform_9, window_bounds = array<i64: 1, 4096>}]} {
    %get3A = arith.constant 0 : index
    %get3A_0 = arith.constant 0 : index
    %get3A_1 = vector.load %arg1[%get3A, %get3A_0] : memref<4096x256xf32, #tpu.memory_space<vmem>>, vector<4096x256xf32>
    %convert_element_type3A = arith.truncf %get3A_1 : vector<4096x256xf32> to vector<4096x256xbf16>
    %get3A_2 = arith.constant 0 : index
    %get3A_3 = arith.constant 0 : index
    %get3A_4 = vector.load %arg2[%get3A_2, %get3A_3] : memref<256x256xf32, #tpu.memory_space<vmem>>, vector<256x256xf32>
    %convert_element_type3A_5 = arith.truncf %get3A_4 : vector<256x256xf32> to vector<256x256xbf16>
    %dot_general3A = arith.constant dense<0.000000e+00> : vector<4096x256xf32>
    %dot_general3A_6 = tpu.matmul %convert_element_type3A, %convert_element_type3A_5, %dot_general3A {dimension_numbers = #tpu.dot_dimension_numbers<[1], [0], [0], [1], [0, 0, 1, 1], [], []>, transpose_lhs_hint = false} : vector<4096x256xbf16>, vector<256x256xbf16>, vector<4096x256xf32> -> vector<4096x256xf32>
    %get3A_7 = arith.constant 0 : index
    %get3A_8 = arith.constant 0 : index
    %get3A_9 = vector.load %arg3[%get3A_7, %get3A_8] : memref<1x256xf32, #tpu.memory_space<vmem>>, vector<1x256xf32>
    %add3A = vector.broadcast %get3A_9 : vector<1x256xf32> to vector<4096x256xf32>
    %add3A_10 = arith.addf %dot_general3A_6, %add3A : vector<4096x256xf32>
    %convert_element_type3A_11 = arith.truncf %add3A_10 : vector<4096x256xf32> to vector<4096x256xbf16>
    %max3A = arith.constant 0.000000e+00 : bf16
    %max3A_12 = vector.broadcast %max3A : bf16 to vector<4096x256xbf16>
    %max3A_13 = arith.maximumf %convert_element_type3A_11, %max3A_12 : vector<4096x256xbf16>
    %get3A_14 = arith.constant 0 : index
    %get3A_15 = arith.constant 0 : index
    %get3A_16 = vector.load %arg4[%get3A_14, %get3A_15] : memref<256x128xf32, #tpu.memory_space<vmem>>, vector<256x128xf32>
    %convert_element_type3A_17 = arith.truncf %get3A_16 : vector<256x128xf32> to vector<256x128xbf16>
    %dot_general3A_18 = arith.constant dense<0.000000e+00> : vector<4096x128xf32>
    %dot_general3A_19 = tpu.matmul %max3A_13, %convert_element_type3A_17, %dot_general3A_18 {dimension_numbers = #tpu.dot_dimension_numbers<[1], [0], [0], [1], [0, 0, 1, 1], [], []>, transpose_lhs_hint = false} : vector<4096x256xbf16>, vector<256x128xbf16>, vector<4096x128xf32> -> vector<4096x128xf32>
    %get3A_20 = arith.constant 0 : index
    %get3A_21 = arith.constant 0 : index
    %get3A_22 = vector.load %arg5[%get3A_20, %get3A_21] : memref<1x128xf32, #tpu.memory_space<vmem>>, vector<1x128xf32>
    %add3A_23 = vector.broadcast %get3A_22 : vector<1x128xf32> to vector<4096x128xf32>
    %add3A_24 = arith.addf %dot_general3A_19, %add3A_23 : vector<4096x128xf32>
    %convert_element_type3A_25 = arith.truncf %add3A_24 : vector<4096x128xf32> to vector<4096x128xbf16>
    %max3A_26 = arith.constant 0.000000e+00 : bf16
    %max3A_27 = vector.broadcast %max3A_26 : bf16 to vector<4096x128xbf16>
    %max3A_28 = arith.maximumf %convert_element_type3A_25, %max3A_27 : vector<4096x128xbf16>
    %get3A_29 = arith.constant 0 : index
    %get3A_30 = arith.constant 0 : index
    %get3A_31 = vector.load %arg6[%get3A_29, %get3A_30] : memref<128x64xf32, #tpu.memory_space<vmem>>, vector<128x64xf32>
    %convert_element_type3A_32 = arith.truncf %get3A_31 : vector<128x64xf32> to vector<128x64xbf16>
    %dot_general3A_33 = arith.constant dense<0.000000e+00> : vector<4096x64xf32>
    %dot_general3A_34 = tpu.matmul %max3A_28, %convert_element_type3A_32, %dot_general3A_33 {dimension_numbers = #tpu.dot_dimension_numbers<[1], [0], [0], [1], [0, 0, 1, 1], [], []>, transpose_lhs_hint = false} : vector<4096x128xbf16>, vector<128x64xbf16>, vector<4096x64xf32> -> vector<4096x64xf32>
    %get3A_35 = arith.constant 0 : index
    %get3A_36 = arith.constant 0 : index
    %get3A_37 = vector.load %arg7[%get3A_35, %get3A_36] : memref<1x64xf32, #tpu.memory_space<vmem>>, vector<1x64xf32>
    %add3A_38 = vector.broadcast %get3A_37 : vector<1x64xf32> to vector<4096x64xf32>
    %add3A_39 = arith.addf %dot_general3A_34, %add3A_38 : vector<4096x64xf32>
    %convert_element_type3A_40 = arith.truncf %add3A_39 : vector<4096x64xf32> to vector<4096x64xbf16>
    %max3A_41 = arith.constant 0.000000e+00 : bf16
    %max3A_42 = vector.broadcast %max3A_41 : bf16 to vector<4096x64xbf16>
    %max3A_43 = arith.maximumf %convert_element_type3A_40, %max3A_42 : vector<4096x64xbf16>
    %get3A_44 = arith.constant 0 : index
    %get3A_45 = arith.constant 0 : index
    %get3A_46 = vector.load %arg8[%get3A_44, %get3A_45] : memref<1x64xf32, #tpu.memory_space<vmem>>, vector<1x64xf32>
    %convert_element_type3A_47 = arith.truncf %get3A_46 : vector<1x64xf32> to vector<1x64xbf16>
    %transpose3A = tpu.transpose %max3A_43, [1, 0] : vector<4096x64xbf16> -> vector<64x4096xbf16>
    %dot_general3A_48 = arith.constant dense<0.000000e+00> : vector<1x4096xf32>
    %dot_general3A_49 = tpu.matmul %convert_element_type3A_47, %transpose3A, %dot_general3A_48 {dimension_numbers = #tpu.dot_dimension_numbers<[1], [0], [0], [1], [0, 0, 1, 1], [], []>, transpose_lhs_hint = false} : vector<1x64xbf16>, vector<64x4096xbf16>, vector<1x4096xf32> -> vector<1x4096xf32>
    %get3A_50 = arith.constant 0 : index
    %get3A_51 = arith.constant 0 : index
    %get3A_52 = vector.load %arg9[%get3A_50, %get3A_51] : memref<1x1xf32, #tpu.memory_space<vmem>>, vector<1x1xf32>
    %add3A_53 = vector.broadcast %get3A_52 : vector<1x1xf32> to vector<1x4096xf32>
    %add3A_54 = arith.addf %dot_general3A_49, %add3A_53 : vector<1x4096xf32>
    %swap3A = arith.constant 0 : index
    %swap3A_55 = arith.constant 0 : index
    %swap3A_56 = vector.load %arg10[%swap3A, %swap3A_55] : memref<1x4096xf32, #tpu.memory_space<vmem>>, vector<1x4096xf32>
    tpu.vector_store %arg10[%swap3A, %swap3A_55], %add3A_54 {strides = array<i32>} : memref<1x4096xf32, #tpu.memory_space<vmem>>, vector<1x4096xf32>,
    return
  }
  func.func @transform_0(%arg0: i32) -> (i32, i32) {
    %c0_i32 = arith.constant 0 : i32
    %c0_i32_0 = arith.constant 0 : i32
    return %arg0, %c0_i32 : i32, i32
  }
  func.func @transform_1(%arg0: i32) -> (i32, i32) {
    %c0_i32 = arith.constant 0 : i32
    %c0_i32_0 = arith.constant 0 : i32
    %c0_i32_1 = arith.constant 0 : i32
    return %c0_i32, %c0_i32_0 : i32, i32
  }
  func.func @transform_2(%arg0: i32) -> (i32, i32) {
    %c0_i32 = arith.constant 0 : i32
    %c0_i32_0 = arith.constant 0 : i32
    %c0_i32_1 = arith.constant 0 : i32
    return %c0_i32, %c0_i32_0 : i32, i32
  }
  func.func @transform_3(%arg0: i32) -> (i32, i32) {
    %c0_i32 = arith.constant 0 : i32
    %c0_i32_0 = arith.constant 0 : i32
    %c0_i32_1 = arith.constant 0 : i32
    return %c0_i32, %c0_i32_0 : i32, i32
  }
  func.func @transform_4(%arg0: i32) -> (i32, i32) {
    %c0_i32 = arith.constant 0 : i32
    %c0_i32_0 = arith.constant 0 : i32
    %c0_i32_1 = arith.constant 0 : i32
    return %c0_i32, %c0_i32_0 : i32, i32
  }
  func.func @transform_5(%arg0: i32) -> (i32, i32) {
    %c0_i32 = arith.constant 0 : i32
    %c0_i32_0 = arith.constant 0 : i32
    %c0_i32_1 = arith.constant 0 : i32
    return %c0_i32, %c0_i32_0 : i32, i32
  }
  func.func @transform_6(%arg0: i32) -> (i32, i32) {
    %c0_i32 = arith.constant 0 : i32
    %c0_i32_0 = arith.constant 0 : i32
    %c0_i32_1 = arith.constant 0 : i32
    return %c0_i32, %c0_i32_0 : i32, i32
  }
  func.func @transform_7(%arg0: i32) -> (i32, i32) {
    %c0_i32 = arith.constant 0 : i32
    %c0_i32_0 = arith.constant 0 : i32
    %c0_i32_1 = arith.constant 0 : i32
    return %c0_i32, %c0_i32_0 : i32, i32
  }
  func.func @transform_8(%arg0: i32) -> (i32, i32) {
    %c0_i32 = arith.constant 0 : i32
    %c0_i32_0 = arith.constant 0 : i32
    %c0_i32_1 = arith.constant 0 : i32
    return %c0_i32, %c0_i32_0 : i32, i32
  }
  func.func @transform_9(%arg0: i32) -> (i32, i32) {
    %c0_i32 = arith.constant 0 : i32
    %c0_i32_0 = arith.constant 0 : i32
    return %c0_i32, %arg0 : i32, i32
  }
}

</mosaic_0001>

<sc_bundles>
// kernel: kernel.4.cloned.1.call-start
scs
__scs_entry_jumppad:
0x0: {  	(pc) =	sbr.rel $0x88, $3  }
0x1: {  	(tag) =	ssettag $0x0;
	lr =	simm.s32 $0x1  }
0x2: {  	[smem:$0x3F95] =	sst lr;
	_ =	strace $0xD0000000  }
0x3: {  	_ = 	snop  }
0x4: {  	_ = 	snop  }
0x5: {  	_ = 	snop  }
0x6: {  	_ = 	snop  }
0x7: {  	_ = 	snop  }
__scs_overlays_trampoline_lowered:
0x8: {  	[smem:$0x3FA4] =	sst s0  }
0x9: {  	[smem:$0x3FA5] =	sst s1  }
0xa: {  	[smem:$0x3FA6] =	sst s2  }
0xb: {  	[smem:$0x3FA7] =	sst s3  }
0xc: {  	[smem:$0x3FA8] =	sst s4  }
0xd: {  	[smem:$0x3FA9] =	sst s5  }
0xe: {  	[smem:$0x3FAA] =	sst s6  }
0xf: {  	[smem:$0x3FAB] =	sst s7  }
0x10: {  	[smem:$0x3FAC] =	sst s8  }
0x11: {  	[smem:$0x3FAD] =	sst s9;
	s0 =	simm.s32 @!p0 $0x0  }
0x12: {  	s1 =	sld [smem:$0x3F93];
	s0 =	simm.s32 @p0 $0x1  }
0x13: {  	[smem:$0x3FAE] =	sst s0;
	s0 =	simm.s32 @!p1 $0x0  }
0x14: {  	s2 =	sld [smem:$0x3F92];
	s0 =	simm.s32 @p1 $0x1  }
0x15: {  	[smem:$0x3FAF] =	sst s0;
	s0 =	simm.s32 @!p2 $0x0  }
0x16: {  	s3 =	sld [smem:$0x3FDB];
	s0 =	simm.s32 @p2 $0x1  }
0x17: {  	s4 =	simm.s32 $0x1BF5;
	[smem:$0x3FB1] =	sst s0  }
0x18: {  	s0 =	sld [smem:$0x3F94];
	_ =	swait.ge [sflag:s4], $0x0  }
0x19: {  	s7 =	sld [smem:$0x3F95]  }
0x1a: {  	s8 =	sadd.s32 $0xFFFFE003, lr  }
0x1b: {  	s9 =	sadd.s32 $0xFFFFFEF7, lr;
	s5 =	simm.s32 $0xFFFFFFFF;
	p2 =	slt.u32 s8, $0xFFFFF086  }
0x1c: {  	p1 =	slt.u32 s9, $0xF7A;
	s5 =	simm.s32 @!p2 $0x0  }
0x1d: {  	s5 =	simm.s32 @p1 $0x1;
	p0 =	seq.s32 s7, s2  }
0x1e: {  	s7 =	smul.u32 @!p0 $0xF7A, s2;
	p2 =	seq.s32 @!p0 s5, $0x0  }
0x1f: {  	s9 =	smul.u32 $0xF7A, s1;
	s8 =	simm.s32 @!p0 $0x1BF5;
	p2 =	por !p2, p0  }
0x20: {  	[sflag:s8] =	ssyncset.s32 @!p0 $0xFFFFF086;
	s6 =	sadd.s32 @!p0 s3, s7;
	s7 =	simm.s32 @!p0 $0x108  }
0x21: {  	s3 =	sadd.s32 s3, s9;
	s6 =	sadd.s32 @!p0 $0x88, s6;
	s7 =	simm.s32 @p2 $0x1082  }
0x22: {  	[simem:s7], [sflag:s8] =	dma.local @!p0 [hbm:s6], $0xF7A  }
0x23: {  	s9 =	sor.u32 $0xD0000000, s2;
	s6 =	simm.s32 $0x108;
	_ =	swait.ge @!p0 [sflag:s8], $0x0  }
0x24: {  	s3 =	sadd.s32 $0x88, s3;
	s6 =	simm.s32 @!p1 $0x1082;
	[sflag:s4] =	ssyncset.s32 $0xFFFFF086  }
0x25: {  	[simem:s6], [sflag:s4] =	dma.local [hbm:s3], $0xF7A  }
0x26: {  	[smem:$0x3F95] =	sst s1;
	(tag) =	ssettag s2;
	_ =	strace s9  }
0x27: {  	s1 =	sld [smem:$0x3FA5]  }
0x28: {  	s2 =	sld [smem:$0x3FA6]  }
0x29: {  	s4 =	sld [smem:$0x3FA8]  }
0x2a: {  	p0 =	seq.s32 s5, $0x0;
	s5 =	sld [smem:$0x3FA9]  }
0x2b: {  	s6 =	sld [smem:$0x3FAA]  }
0x2c: {  	s7 =	sld [smem:$0x3FAB]  }
0x2d: {  	s3 =	simm.s32 $0x108;
	s8 =	sld [smem:$0x3FAC]  }
0x2e: {  	s3 =	simm.s32 @!p0 $0x1082;
	s9 =	sld [smem:$0x3FAD]  }
0x2f: {  	lr =	sadd.s32 s0, s3;
	s0 =	sld [smem:$0x3FA4]  }
0x30: {  	s3 =	sld [smem:$0x3FA7]  }
0x31: {  	[smem:$0x3FB0] =	sst s10  }
0x32: {  	s10 =	sld [smem:$0x3FAE];
	_ =	sdelay $0x3  }
0x33: {  	p0 =	seq.s32 s10, $0x1;
	s10 =	sld [smem:$0x3FB0];
	_ =	sdelay $0x3  }
0x34: {  	[smem:$0x3FB0] =	sst s10  }
0x35: {  	s10 =	sld [smem:$0x3FAF];
	_ =	sdelay $0x3  }
0x36: {  	p1 =	seq.s32 s10, $0x1;
	s10 =	sld [smem:$0x3FB0];
	_ =	sdelay $0x3  }
0x37: {  	[smem:$0x3FB0] =	sst s10  }
0x38: {  	s10 =	sld [smem:$0x3FB1]  }
0x39: {  	_ = 	snop;
	(pc) =	sbr.ind lr, $3  }
0x3a: {  	_ = 	snop  }
0x3b: {  	_ = 	snop  }
0x3c: {  	p2 =	seq.s32 s10, $0x1;
	s10 =	sld [smem:$0x3FB0]  }
0x3d: {  	_ =	shalt  }
0x3e: {  	_ =	shalt  }
0x3f: {  	_ =	shalt  }
0x40: {  	_ =	shalt  }
0x41: {  	_ =	shalt  }
0x42: {  	_ =	shalt  }
0x43: {  	_ =	shalt  }
0x44: {  	_ =	shalt  }
0x45: {  	_ =	shalt  }
0x46: {  	_ =	shalt  }
0x47: {  	_ =	shalt  }
0x48: {  	_ =	shalt  }
0x49: {  	_ =	shalt  }
0x4a: {  	_ =	shalt  }
0x4b: {  	_ =	shalt  }
0x4c: {  	_ =	shalt  }
0x4d: {  	_ =	shalt  }
0x4e: {  	_ =	shalt  }
0x4f: {  	_ =	shalt  }
0x50: {  	_ =	shalt  }
0x51: {  	_ =	shalt  }
0x52: {  	_ =	shalt  }
0x53: {  	_ =	shalt  }
0x54: {  	_ =	shalt  }
0x55: {  	_ =	shalt  }
0x56: {  	_ =	shalt  }
0x57: {  	_ =	shalt  }
0x58: {  	_ =	shalt  }
0x59: {  	_ =	shalt  }
0x5a: {  	_ =	shalt  }
0x5b: {  	_ =	shalt  }
0x5c: {  	_ =	shalt  }
0x5d: {  	_ =	shalt  }
0x5e: {  	_ =	shalt  }
0x5f: {  	_ =	shalt  }
0x60: {  	_ =	shalt  }
0x61: {  	_ =	shalt  }
0x62: {  	_ =	shalt  }
0x63: {  	_ =	shalt  }
0x64: {  	_ =	shalt  }
0x65: {  	_ =	shalt  }
0x66: {  	_ =	shalt  }
0x67: {  	_ =	shalt  }
0x68: {  	_ =	shalt  }
0x69: {  	_ =	shalt  }
0x6a: {  	_ =	shalt  }
0x6b: {  	_ =	shalt  }
0x6c: {  	_ =	shalt  }
0x6d: {  	_ =	shalt  }
0x6e: {  	_ =	shalt  }
0x6f: {  	_ =	shalt  }
0x70: {  	_ =	shalt  }
0x71: {  	_ =	shalt  }
0x72: {  	_ =	shalt  }
0x73: {  	_ =	shalt  }
0x74: {  	_ =	shalt  }
0x75: {  	_ =	shalt  }
0x76: {  	_ =	shalt  }
0x77: {  	_ =	shalt  }
0x78: {  	_ =	shalt  }
0x79: {  	_ =	shalt  }
0x7a: {  	_ =	shalt  }
0x7b: {  	_ =	shalt  }
0x7c: {  	_ =	shalt  }
0x7d: {  	_ =	shalt  }
0x7e: {  	_ =	shalt  }
0x7f: {  	_ =	shalt  }
0x80: {  	_ =	shalt  }
0x81: {  	_ =	shalt  }
0x82: {  	_ =	shalt  }
0x83: {  	_ =	shalt  }
0x84: {  	_ =	shalt  }
0x85: {  	_ =	shalt  }
0x86: {  	_ =	shalt  }
0x87: {  	_ =	shalt  }
.Lfunc_end0:
.L_simem_size_0:
called_computation_lowered:
.L_overlay_start_0:
0x88: {  	s2 =	sld [smem:$0x3FD9]  }
0x89: {  	s3 =	sld [smem:$0x3FFE];
	_ =	sdelay $0x1  }
0x8a: {  	s1 =	srdreg.scid  }
0x8b: {  	s0 =	sand.u32 $0x1, s1  }
0x8c: {  	s17 =	sshll.u32 s0, $0xA;
	s2 =	sadd.s32 s3, s2  }
0x8d: {  	s2 =	sadd.s32 s2, s17  }
0x8e: {  	[smem:$0x3FBC] =	sst s2  }
0x8f: {  	_ = 	snop  }
0x90: {  	s2 =	sld [smem:$0x3FC9]  }
0x91: {  	s18 =	sld [smem:$0x3FC8]  }
0x92: {  	s4 =	sld [smem:$0x3FC7]  }
0x93: {  	s5 =	sld [smem:$0x3FC6];
	(tm) =	ssettm $0x1  }
0x94: {  	s6 =	sld [smem:$0x3FFB];
	_ =	sdelay $0x3  }
0x95: {  	_ =	strace s6  }
0x96: {  	s6 =	sld [smem:$0x3FFC];
	_ =	sdelay $0x3  }
0x97: {  	_ =	strace s6  }
0x98: {  	s6 =	sld [smem:$0x3FFD];
	_ =	sdelay $0x3  }
0x99: {  	_ =	strace s6  }
0x9a: {  	_ =	strace $0x8FFFFFFF  }
0x9b: {  	s19 =	sld [smem:$0x3FDB];
	_ =	sdelay $0x1  }
0x9c: {  	s7 =	simm.s32 $_scs_section_size  }
0x9d: {  	s8 =	simm.s32 $_size__tile_overlayer_lowered;
	s9 =	simm.s32 $_tile_overlayer_lowered  }
0x9e: {  	s22 =	simm.s32 $0x1BFF;
	s21 =	sshll.u32 s9, $0x1;
	s6 =	sadd.s32 s7, s19  }
0x9f: {  	s10 =	simm.s32 $0x0;
	s20 =	sshll.u32 s8, $0x1;
	s8 =	sadd.s32 s21, s6  }
0xa0: {  	[timem:s10], [sflag:s22] =	dma.local [hbm:s8], s20  }
0xa1: {  	_ =	swait.ge [sflag:s22], s20  }
0xa2: {  	s7 =	ssub.s32 $0x0, s20;
	[sflag:s22] =	ssyncset.done $0x0  }
0xa3: {  	[sflag:s22] =	ssyncadd.s32 s7;
	_ =	sdelay $0x1  }
0xa4: {  	s23 =	simm.s32 $0x1B8B  }
0xa5: {  	_ =	swait.ge [sflag:s23], $0x1  }
0xa6: {  	[sflag:s23] =	ssyncset.done $0x0  }
0xa7: {  	s25 =	simm.s32 $0x1B8E;
	s24 =	sld [smem:$0x3FFE];
	[sflag:s23] =	ssyncadd.s32 $0xFFFFFFFF  }
0xa8: {  	s26 =	simm.s32 $execute0_lowered;
	[smem:$0x3FD2] =	sst s25  }
0xa9: {  	s8 =	sshll.u32 s26, $0x1;
	_ =	strace $0x80000046;
	[dreg:$0x1] =	wrdreg $0xFFFFFFFF  }
0xaa: {  	s28 =	simm.s32 $_size_execute0_lowered;
	s6 =	sadd.s32 s6, s8;
	[dreg:$0x0] =	wrdreg $0x0  }
0xab: {  	s8 =	sshll.u32 s28, $0x1;
	[dreg:$0x2] =	wrdreg s6  }
0xac: {  	[dreg:$0x3] =	wrdreg s8  }
0xad: {  	[dreg:$0x4] =	wrdreg $0xC0  }
0xae: {  	_ =	task [dreg:s10], $0x5FFFF  }
0xaf: {  	[dreg:$0x1] =	wrdreg $0xFFFFFFFF  }
0xb0: {  	[dreg:$0x0] =	wrdreg $0x60  }
0xb1: {  	[dreg:$0x2] =	wrdreg s2  }
0xb2: {  	[dreg:$0x3] =	wrdreg s18  }
0xb3: {  	[dreg:$0x4] =	wrdreg s4  }
0xb4: {  	[dreg:$0x5] =	wrdreg s5  }
0xb5: {  	[dreg:$0x6] =	wrdreg s24  }
0xb6: {  	[dreg:$0x7] =	wrdreg $0x9  }
0xb7: {  	_ =	task.clear_ibuf [dreg:s10], $0x8FFFF;
	_ =	strace $0x90000046  }
0xb8: {  	s29 =	simm.s32 $0x9;
	_ =	strace $0x80000048  }
0xb9: {  	_ =	swait.ge [sflag:s29], $0x1  }
0xba: {  	[sflag:s29] =	ssyncadd.s32 $0xFFFFFFFF  }
0xbb: {  	_ =	strace $0x90000048  }
0xbc: {  	_ =	sfence  }
0xbd: {  	s30 =	sld [smem:$0x0];
	_ =	sdelay $0x2  }
0xbe: {  	s31 =	sshll.u32 s1, $0xD;
	s1 =	sshrl.u32 s1, $0x2  }
0xbf: {  	s3 =	sand.u32 $0x4000, s31;
	s1 =	sadd.s32 s1, s30  }
0xc0: {  	s0 =	sor.u32 s3, s0;
	s1 =	sshll.u32 s1, $0x11  }
0xc1: {  	s0 =	sor.u32 s1, s0  }
0xc2: {  	s0 =	sadd.s32 $0x8F2B, s0  }
0xc3: {  	[sflag:s0] =	ssyncadd.remote.s32 $0x1  }
0xc4: {  	_ =	sfence.sel $0xFFFF  }
0xc5: {  	[dreg:$0x0] =	wrdreg $0xFFFFFFFF;
	(pc) =	sbr.abs _section_cstart, $3  }
0xc6: {  	[dreg:$0x1] =	wrdreg $0xFFFFFFFF  }
0xc7: {  	_ =	task.clear_ibuf [dreg:s10], $0x2FFFF;
	_ =	strace $0x9FFFFFFF  }
0xc8: {  	(tm) =	ssettm $0x7FFFFFFF  }
0xc9: {  	_ =	shalt  }
tec
execute0_lowered:
.L_overlay_start_1:
0x0: {  	(tag) =	ssettag $0x1  }
0x1: {  	s5 =	rddreg [dreg:$0x0]  }
0x2: {  	s6 =	rddreg [dreg:$0x1]  }
0x3: {  	s2 =	rddreg [dreg:$0x2]  }
0x4: {  	s3 =	rddreg [dreg:$0x3]  }
0x5: {  	s7 =	rddreg [dreg:$0x4];
	s0 =	srdreg.scid  }
0x6: {  	s4 =	simm.s32 $0x0;
	s1 =	stileid.u32;
	s0 =	sand.u32 $0x1, s0  }
0x7: {  	[smem:$0x7FF] =	sst s4;
	s8 =	sshll.u32 s1, $0x7;
	s9 =	sshll.u32 s0, $0x6  }
0x8: {  	s10 =	sshll.u32 s1, $0xF;
	s11 =	sshll.u32 s0, $0xE;
	s8 =	sor.u32 s9, s8  }
0x9: {  	_ =	strace $0x80000047;
	s20 =	sor.u32 s11, s10;
	s5 =	sadd.s32 s5, s8  }
0xa: {  	s31 =	sadd.s32 s20, s7;
	s21 =	sadd.s32 s6, s8;
	[dreg:$0x6] =	wrdreg s5  }
0xb: {  	[dreg:$0x7] =	wrdreg s21;
	s22 =	sadd.s32 $0x1400, s31  }
0xc: {  	[dreg:$0x8] =	wrdreg s22  }
0xd: {  	s23 =	sadd.s32 $0x2400, s31;
	s24 =	rddreg [dreg:$0x6]  }
0xe: {  	s25 =	sadd.s32 $0x3400, s31;
	[dreg:$0x9] =	wrdreg s23  }
0xf: {  	s5 =	simm.s32 $0x9;
	[dreg:$0xa] =	wrdreg s25  }
0x10: {  	[tilespmem:s4], [sflag:$0x9] =	stream.linear.gather [hbm4b:s24+s4], $0x200, $0x38;
	[tilespmem:$0x10400] =	vst v63  }
0x11: {  	_ =	swait.ge [sflag:s5], $0x200  }
0x12: {  	[sflag:s5] =	ssyncset.done $0x0  }
0x13: {  	s6 =	simm.s32 $0x200;
	s26 =	rddreg [dreg:$0x7];
	[sflag:s5] =	ssyncadd.s32 $0xFFFFFE00  }
0x14: {  	[tilespmem:s6], [sflag:$0x9] =	stream.linear.gather [hbm4b:s26+s4], $0x200, $0x38;
	[tilespmem:$0x10400] =	vst v63  }
0x15: {  	_ =	swait.ge [sflag:s5], $0x200  }
0x16: {  	[sflag:s5] =	ssyncset.done $0x0  }
0x17: {  	s7 =	simm.s32 $0x80;
	s8 =	simm.s32 $0x400;
	[sflag:s5] =	ssyncadd.s32 $0xFFFFFE00  }
0x18: {  	[tilespmem:s8], [sflag:$0x1] =	stream.indirect.gather [hbm4b:s2+s7], $0x80, s4, s7, $0xb8;
	[tilespmem:$0x10400] =	vst v63  }
0x19: {  	s9 =	simm.s32 $0x4400  }
0x1a: {  	[tilespmem:s9], [sflag:$0x2] =	stream.indirect.gather [hbm4b:s2+s7], $0x80, s7, s7, $0xb8;
	[tilespmem:$0x10400] =	vst v63  }
0x1b: {  	s10 =	simm.s32 $0x100;
	s11 =	simm.s32 $0x8400  }
0x1c: {  	[tilespmem:s11], [sflag:$0x3] =	stream.indirect.gather [hbm4b:s2+s7], $0x80, s10, s7, $0xb8;
	[tilespmem:$0x10400] =	vst v63  }
0x1d: {  	s12 =	simm.s32 $0x180;
	s13 =	simm.s32 $0xC400;
	s14 =	simm.s32 $0x1  }
0x1e: {  	[tilespmem:s13], [sflag:$0x4] =	stream.indirect.gather [hbm4b:s2+s7], $0x80, s12, s7, $0xb8;
	[tilespmem:$0x10400] =	vst v63  }
0x1f: {  	_ =	swait.ge [sflag:s14], $0x4000  }
0x20: {  	s15 =	simm.s32 $0x800;
	[sflag:s14] =	ssyncset.done $0x0  }
0x21: {  	s16 =	simm.s32 $0x5;
	s17 =	rddreg [dreg:$0x8];
	[sflag:s14] =	ssyncadd.s32 $0xFFFFC000  }
0x22: {  	[hbm4b:s17+s8] =	stream.strided.scatter [tilespmem:s8], [sflag:$0x5], $0x4000, s15, s8, $0x38;
	[tilespmem:$0x10400] =	vst v63  }
0x23: {  	_ =	swait.ge [sflag:s16], $0x4000  }
0x24: {  	[sflag:s16] =	ssyncset.done $0x0  }
0x25: {  	s17 =	simm.s32 $0x2;
	[sflag:s16] =	ssyncadd.s32 $0xFFFFC000  }
0x26: {  	[tilespmem:s8], [sflag:$0x1] =	stream.indirect.gather [hbm4b:s3+s7], $0x80, s6, s7, $0xb8;
	[tilespmem:$0x10400] =	vst v63  }
0x27: {  	_ =	swait.ge [sflag:s17], $0x4000  }
0x28: {  	[sflag:s17] =	ssyncset.done $0x0  }
0x29: {  	s18 =	simm.s32 $0x6;
	s19 =	rddreg [dreg:$0x9];
	[sflag:s17] =	ssyncadd.s32 $0xFFFFC000  }
0x2a: {  	[hbm4b:s19+s8] =	stream.strided.scatter [tilespmem:s9], [sflag:$0x6], $0x4000, s15, s8, $0x38;
	[tilespmem:$0x10400] =	vst v63  }
0x2b: {  	_ =	swait.ge [sflag:s18], $0x4000  }
0x2c: {  	[sflag:s18] =	ssyncset.done $0x0  }
0x2d: {  	s20 =	simm.s32 $0x3;
	s19 =	simm.s32 $0x280;
	[sflag:s18] =	ssyncadd.s32 $0xFFFFC000  }
0x2e: {  	[tilespmem:s9], [sflag:$0x2] =	stream.indirect.gather [hbm4b:s3+s7], $0x80, s19, s7, $0xb8;
	[tilespmem:$0x10400] =	vst v63  }
0x2f: {  	_ =	swait.ge [sflag:s20], $0x4000  }
0x30: {  	[sflag:s20] =	ssyncset.done $0x0  }
0x31: {  	s21 =	simm.s32 $0x7;
	s22 =	rddreg [dreg:$0xa];
	[sflag:s20] =	ssyncadd.s32 $0xFFFFC000  }
0x32: {  	[hbm4b:s22+s8] =	stream.strided.scatter [tilespmem:s11], [sflag:$0x7], $0x4000, s15, s8, $0x38;
	[tilespmem:$0x10400] =	vst v63  }
0x33: {  	_ =	swait.ge [sflag:s21], $0x4000  }
0x34: {  	[sflag:s21] =	ssyncset.done $0x0  }
0x35: {  	s23 =	simm.s32 $0x4;
	s22 =	simm.s32 $0x300;
	[sflag:s21] =	ssyncadd.s32 $0xFFFFC000  }
0x36: {  	[tilespmem:s11], [sflag:$0x3] =	stream.indirect.gather [hbm4b:s3+s7], $0x80, s22, s7, $0xb8;
	[tilespmem:$0x10400] =	vst v63  }
0x37: {  	_ =	swait.ge [sflag:s23], $0x4000  }
0x38: {  	[sflag:s23] =	ssyncset.done $0x0  }
0x39: {  	s25 =	sadd.s32 $0x4400, s31;
	s24 =	simm.s32 $0x8;
	[sflag:s23] =	ssyncadd.s32 $0xFFFFC000  }
0x3a: {  	[hbm4b:s25+s8] =	stream.strided.scatter [tilespmem:s13], [sflag:$0x8], $0x4000, s15, s8, $0x38;
	[tilespmem:$0x10400] =	vst v63  }
0x3b: {  	_ =	swait.ge [sflag:s24], $0x4000  }
0x3c: {  	[sflag:s24] =	ssyncset.done $0x0  }
0x3d: {  	s26 =	simm.s32 $0x380;
	[sflag:s24] =	ssyncadd.s32 $0xFFFFC000  }
0x3e: {  	[tilespmem:s13], [sflag:$0x4] =	stream.indirect.gather [hbm4b:s3+s7], $0x80, s26, s7, $0xb8;
	[tilespmem:$0x10400] =	vst v63  }
0x3f: {  	_ =	swait.ge [sflag:s14], $0x4000  }
0x40: {  	[sflag:s14] =	ssyncset.done $0x0  }
0x41: {  	s28 =	sadd.s32 $0x1480, s31;
	[sflag:s14] =	ssyncadd.s32 $0xFFFFC000  }
0x42: {  	[hbm4b:s28+s8] =	stream.strided.scatter [tilespmem:s8], [sflag:$0x5], $0x4000, s15, s8, $0x38;
	[tilespmem:$0x10400] =	vst v63  }
0x43: {  	_ =	swait.ge [sflag:s17], $0x4000  }
0x44: {  	[sflag:s17] =	ssyncset.done $0x0  }
0x45: {  	s29 =	sadd.s32 $0x2480, s31;
	[sflag:s17] =	ssyncadd.s32 $0xFFFFC000  }
0x46: {  	[hbm4b:s29+s8] =	stream.strided.scatter [tilespmem:s9], [sflag:$0x6], $0x4000, s15, s8, $0x38;
	[tilespmem:$0x10400] =	vst v63  }
0x47: {  	_ =	swait.ge [sflag:s20], $0x4000  }
0x48: {  	[sflag:s20] =	ssyncset.done $0x0  }
0x49: {  	s30 =	sadd.s32 $0x3480, s31;
	[sflag:s20] =	ssyncadd.s32 $0xFFFFC000  }
0x4a: {  	[hbm4b:s30+s8] =	stream.strided.scatter [tilespmem:s11], [sflag:$0x7], $0x4000, s15, s8, $0x38;
	[tilespmem:$0x10400] =	vst v63  }
0x4b: {  	_ =	swait.ge [sflag:s23], $0x4000  }
0x4c: {  	[sflag:s23] =	ssyncset.done $0x0  }
0x4d: {  	s31 =	sadd.s32 $0x4480, s31;
	[sflag:s23] =	ssyncadd.s32 $0xFFFFC000  }
0x4e: {  	[hbm4b:s31+s8] =	stream.strided.scatter [tilespmem:s13], [sflag:$0x8], $0x4000, s15, s8, $0x38;
	[tilespmem:$0x10400] =	vst v63  }
0x4f: {  	s0 =	ssub.s32 $0x2, s0;
	_ =	swait.ge [sflag:s16], $0x4000  }
0x50: {  	s1 =	sshrl.u32 s0, $0x1;
	[sflag:s16] =	ssyncset.done $0x0  }
0x51: {  	s0 =	ssub.s32 s0, s1;
	[sflag:s16] =	ssyncadd.s32 $0xFFFFC000  }
0x52: {  	s0 =	smax.u32 s0, $0x1;
	_ =	swait.ge [sflag:s18], $0x4000  }
0x53: {  	p0 =	sne.s32 s0, $0x1;
	[sflag:s18] =	ssyncset.done $0x0  }
.Ltmp0:
0x54: {  	[sflag:s18] =	ssyncadd.s32 $0xFFFFC000;
	(pc) =	sbr.rel @!p0 .LBB2_2-.Ltmp0, $4  }
0x55: {  	_ =	swait.ge [sflag:s21], $0x4000  }
0x56: {  	[sflag:s21] =	ssyncset.done $0x0  }
0x57: {  	[sflag:s21] =	ssyncadd.s32 $0xFFFFC000  }
0x58: {  	s0 =	sadd.s32 $0xFFFFFFFF, s0;
	_ =	swait.ge [sflag:s24], $0x4000  }
.LBB2_1:
0x59: {  	[sflag:s24] =	ssyncset.done $0x0  }
0x5a: {  	s1 =	rddreg [dreg:$0x6];
	[sflag:s24] =	ssyncadd.s32 $0xFFFFC000  }
0x5b: {  	[tilespmem:s4], [sflag:$0x9] =	stream.linear.gather [hbm4b:s1+s4], $0x200, $0x38;
	[tilespmem:$0x10400] =	vst v63  }
0x5c: {  	_ =	swait.ge [sflag:s5], $0x200  }
0x5d: {  	[sflag:s5] =	ssyncset.done $0x0  }
0x5e: {  	s1 =	rddreg [dreg:$0x7];
	[sflag:s5] =	ssyncadd.s32 $0xFFFFFE00  }
0x5f: {  	[tilespmem:s6], [sflag:$0x9] =	stream.linear.gather [hbm4b:s1+s4], $0x200, $0x38;
	[tilespmem:$0x10400] =	vst v63  }
0x60: {  	_ =	swait.ge [sflag:s5], $0x200  }
0x61: {  	[sflag:s5] =	ssyncset.done $0x0  }
0x62: {  	[sflag:s5] =	ssyncadd.s32 $0xFFFFFE00  }
0x63: {  	[tilespmem:s8], [sflag:$0x1] =	stream.indirect.gather [hbm4b:s2+s7], $0x80, s4, s7, $0xb8;
	[tilespmem:$0x10400] =	vst v63  }
0x64: {  	_ = 	snop  }
0x65: {  	[tilespmem:s9], [sflag:$0x2] =	stream.indirect.gather [hbm4b:s2+s7], $0x80, s7, s7, $0xb8;
	[tilespmem:$0x10400] =	vst v63  }
0x66: {  	_ = 	snop  }
0x67: {  	[tilespmem:s11], [sflag:$0x3] =	stream.indirect.gather [hbm4b:s2+s7], $0x80, s10, s7, $0xb8;
	[tilespmem:$0x10400] =	vst v63  }
0x68: {  	_ = 	snop  }
0x69: {  	[tilespmem:s13], [sflag:$0x4] =	stream.indirect.gather [hbm4b:s2+s7], $0x80, s12, s7, $0xb8;
	[tilespmem:$0x10400] =	vst v63  }
0x6a: {  	_ =	swait.ge [sflag:s14], $0x4000  }
0x6b: {  	[sflag:s14] =	ssyncset.done $0x0  }
0x6c: {  	s1 =	rddreg [dreg:$0x8];
	[sflag:s14] =	ssyncadd.s32 $0xFFFFC000  }
0x6d: {  	[hbm4b:s1+s8] =	stream.strided.scatter [tilespmem:s8], [sflag:$0x5], $0x4000, s15, s8, $0x38;
	[tilespmem:$0x10400] =	vst v63  }
0x6e: {  	_ =	swait.ge [sflag:s16], $0x4000  }
0x6f: {  	[sflag:s16] =	ssyncset.done $0x0  }
0x70: {  	[sflag:s16] =	ssyncadd.s32 $0xFFFFC000  }
0x71: {  	[tilespmem:s8], [sflag:$0x1] =	stream.indirect.gather [hbm4b:s3+s7], $0x80, s6, s7, $0xb8;
	[tilespmem:$0x10400] =	vst v63  }
0x72: {  	_ =	swait.ge [sflag:s17], $0x4000  }
0x73: {  	[sflag:s17] =	ssyncset.done $0x0  }
0x74: {  	s1 =	rddreg [dreg:$0x9];
	[sflag:s17] =	ssyncadd.s32 $0xFFFFC000  }
0x75: {  	[hbm4b:s1+s8] =	stream.strided.scatter [tilespmem:s9], [sflag:$0x6], $0x4000, s15, s8, $0x38;
	[tilespmem:$0x10400] =	vst v63  }
0x76: {  	_ =	swait.ge [sflag:s18], $0x4000  }
0x77: {  	[sflag:s18] =	ssyncset.done $0x0  }
0x78: {  	[sflag:s18] =	ssyncadd.s32 $0xFFFFC000  }
0x79: {  	[tilespmem:s9], [sflag:$0x2] =	stream.indirect.gather [hbm4b:s3+s7], $0x80, s19, s7, $0xb8;
	[tilespmem:$0x10400] =	vst v63  }
0x7a: {  	_ =	swait.ge [sflag:s20], $0x4000  }
0x7b: {  	[sflag:s20] =	ssyncset.done $0x0  }
0x7c: {  	s1 =	rddreg [dreg:$0xa];
	[sflag:s20] =	ssyncadd.s32 $0xFFFFC000  }
0x7d: {  	[hbm4b:s1+s8] =	stream.strided.scatter [tilespmem:s11], [sflag:$0x7], $0x4000, s15, s8, $0x38;
	[tilespmem:$0x10400] =	vst v63  }
0x7e: {  	_ =	swait.ge [sflag:s21], $0x4000  }
0x7f: {  	[sflag:s21] =	ssyncset.done $0x0  }
0x80: {  	[sflag:s21] =	ssyncadd.s32 $0xFFFFC000  }
0x81: {  	[tilespmem:s11], [sflag:$0x3] =	stream.indirect.gather [hbm4b:s3+s7], $0x80, s22, s7, $0xb8;
	[tilespmem:$0x10400] =	vst v63  }
0x82: {  	_ =	swait.ge [sflag:s23], $0x4000  }
0x83: {  	[sflag:s23] =	ssyncset.done $0x0  }
0x84: {  	[sflag:s23] =	ssyncadd.s32 $0xFFFFC000  }
0x85: {  	[hbm4b:s25+s8] =	stream.strided.scatter [tilespmem:s13], [sflag:$0x8], $0x4000, s15, s8, $0x38;
	[tilespmem:$0x10400] =	vst v63  }
0x86: {  	_ =	swait.ge [sflag:s24], $0x4000  }
0x87: {  	[sflag:s24] =	ssyncset.done $0x0  }
0x88: {  	[sflag:s24] =	ssyncadd.s32 $0xFFFFC000  }
0x89: {  	[tilespmem:s13], [sflag:$0x4] =	stream.indirect.gather [hbm4b:s3+s7], $0x80, s26, s7, $0xb8;
	[tilespmem:$0x10400] =	vst v63  }
0x8a: {  	_ =	swait.ge [sflag:s14], $0x4000  }
0x8b: {  	[sflag:s14] =	ssyncset.done $0x0  }
0x8c: {  	[sflag:s14] =	ssyncadd.s32 $0xFFFFC000  }
0x8d: {  	[hbm4b:s28+s8] =	stream.strided.scatter [tilespmem:s8], [sflag:$0x5], $0x4000, s15, s8, $0x38;
	[tilespmem:$0x10400] =	vst v63  }
0x8e: {  	_ =	swait.ge [sflag:s17], $0x4000  }
0x8f: {  	[sflag:s17] =	ssyncset.done $0x0  }
0x90: {  	[sflag:s17] =	ssyncadd.s32 $0xFFFFC000  }
0x91: {  	[hbm4b:s29+s8] =	stream.strided.scatter [tilespmem:s9], [sflag:$0x6], $0x4000, s15, s8, $0x38;
	[tilespmem:$0x10400] =	vst v63  }
0x92: {  	_ =	swait.ge [sflag:s20], $0x4000  }
0x93: {  	[sflag:s20] =	ssyncset.done $0x0  }
0x94: {  	[sflag:s20] =	ssyncadd.s32 $0xFFFFC000  }
0x95: {  	[hbm4b:s30+s8] =	stream.strided.scatter [tilespmem:s11], [sflag:$0x7], $0x4000, s15, s8, $0x38;
	[tilespmem:$0x10400] =	vst v63  }
0x96: {  	_ =	swait.ge [sflag:s23], $0x4000  }
0x97: {  	[sflag:s23] =	ssyncset.done $0x0  }
0x98: {  	[sflag:s23] =	ssyncadd.s32 $0xFFFFC000  }
0x99: {  	[hbm4b:s31+s8] =	stream.strided.scatter [tilespmem:s13], [sflag:$0x8], $0x4000, s15, s8, $0x38;
	[tilespmem:$0x10400] =	vst v63  }
0x9a: {  	_ =	swait.ge [sflag:s16], $0x4000  }
0x9b: {  	[sflag:s16] =	ssyncset.done $0x0  }
0x9c: {  	[sflag:s16] =	ssyncadd.s32 $0xFFFFC000  }
0x9d: {  	_ =	swait.ge [sflag:s18], $0x4000  }
0x9e: {  	p0 =	sne.s32 s0, $0x1;
	[sflag:s18] =	ssyncset.done $0x0  }
.Ltmp1:
0x9f: {  	[sflag:s18] =	ssyncadd.s32 $0xFFFFC000;
	(pc) =	sbr.rel @p0 .LBB2_1-.Ltmp1, $4  }
0xa0: {  	_ =	swait.ge [sflag:s21], $0x4000  }
0xa1: {  	[sflag:s21] =	ssyncset.done $0x0  }
0xa2: {  	[sflag:s21] =	ssyncadd.s32 $0xFFFFC000  }
0xa3: {  	s0 =	sadd.s32 $0xFFFFFFFF, s0;
	_ =	swait.ge [sflag:s24], $0x4000  }
.LBB2_2:
0xa4: {  	[sflag:s24] =	ssyncset.done $0x0  }
0xa5: {  	[sflag:s24] =	ssyncadd.s32 $0xFFFFC000  }
0xa6: {  	_ =	sfence.sel $0x180000  }
0xa7: {  	[bflag:$0x0] =	sbarrier.arrive $0xFFFF  }
0xa8: {  	_ =	strace $0x90000047  }
0xa9: {  	s0 =	stileid.u32;
	[bflag:$0x2] =	sbarrier.arrive $0xFFFF  }
0xaa: {  	p0 =	sne.s32 s0, $0x0;
	s0 =	rddreg [dreg:$0x5]  }
0xab: {  	s0 =	sadd.s32 @!p0 $0x100000, s0  }
0xac: {  	[sflag:s0] =	ssyncadd.tile.s32 @!p0 $0x1;
	_ =	shalt  }
.Lfunc_end2:
_tile_overlayer_lowered:
.L_overlay_start_2:
0xad: {  	(tag) =	ssettag $0x2  }
0xae: {  	s0 =	rddreg [dreg:$0x0];
	s2 =	stileid.u32  }
0xaf: {  	s1 =	rddreg [dreg:$0x1];
	p0 =	sne.s32 s2, $0x0  }
0xb0: {  	s3 =	rddreg [dreg:$0x2];
	[bflag:$0x3] =	sbarrier.arrive $0xFFFF;
	s2 =	simm.s32 @!p0 $0x1C09  }
0xb1: {  	[timem:s3], [sflag:s2] =	dma.local @!p0 [hbm:s0], s1  }
0xb2: {  	s0 =	simm.s32 @!p0 $0x9  }
0xb3: {  	_ =	swait.ge @!p0 [sflag:s0], s1  }
0xb4: {  	s1 =	ssub.s32 @!p0 $0x0, s1;
	[sflag:s0] =	ssyncset.done @!p0 $0x0  }
0xb5: {  	[sflag:s0] =	ssyncadd.s32 @!p0 s1  }
0xb6: {  	[bflag:$0x3] =	sbarrier.arrive $0xFFFF  }
0xb7: {  	_ =	shalt  }

</sc_bundles>
